<compile_context>
chip_gen: v7x
topology: tpu7x:2x2x1
jax: 0.10.2.dev20260603
libtpu: 0.0.44.dev20260713+nightly
codegen_flags: <defaults>
</compile_context>

<pallas_src>
import dataclasses
import functools

import jax
import jax.numpy as jnp
from jax import lax
from jax.experimental import pallas as pl
from jax.experimental.pallas import tpu as pltpu
from jax.experimental.pallas import tpu_sc as plsc

LANES = 16
NUM_WORKERS = 32
CHUNK = 128
REL_ROWS = 64


def _vrsqrt(s, steps=3):
    i = lax.bitcast_convert_type(s, jnp.int32)
    i = jnp.int32(0x5F3759DF) - (i >> 1)
    y = lax.bitcast_convert_type(i, jnp.float32)
    h = s * 0.5
    for _ in range(steps):
        y = y * (1.5 - h * y * y)
    return y


def _sumsq_tree(vs):
    sq = [v * v for v in vs]
    while len(sq) > 1:
        sq = [a + b for a, b in zip(sq[::2], sq[1::2])]
    return sq[0]


def _row_scale(buf, r, nvec, steps=3):
    vs = [buf[r, pl.ds(k * LANES, LANES)] for k in range(nvec)]
    s = jnp.maximum(jnp.sum(_sumsq_tree(vs)), 1e-12)
    y = _vrsqrt(jnp.broadcast_to(s, (LANES,)), steps)
    return vs, y


def _transe_body(nch, nrel, ent_hbm, rel_hbm, idxe_hbm, idxr_hbm, out_hbm,
                 idxe_v, idxr_v, reln_sp, bufe0, bufe1, bufe2,
                 bufr0, bufr1, bufo0, bufo1,
                 seme0, seme1, seme2, semr0, semr1, semo0, semo1):
    d = ent_hbm.shape[1]
    nvec = d // LANES
    sid = lax.axis_index("s")
    wid = sid * 2 + lax.axis_index("c")
    base = wid * (nch * CHUNK)

    bufe = [bufe0, bufe1, bufe2]
    bufr = [bufr0, bufr1]
    bufo = [bufo0, bufo1]
    seme = [seme0, seme1, seme2]
    semr = [semr0, semr1]
    semo = [semo0, semo1]
    def ent_gather(j, slot):
        return pltpu.async_copy(ent_hbm.at[idxe_v.at[j]], bufe[slot],
                                seme[slot])

    pltpu.sync_copy(idxe_hbm.at[wid], idxe_v)
    pltpu.sync_copy(idxr_hbm.at[wid], idxr_v)

    entc = [ent_gather(0, 0), ent_gather(1, 1), None]

    start = jnp.minimum(sid * REL_ROWS, nrel - REL_ROWS)
    pltpu.sync_copy(rel_hbm.at[pl.ds(start, REL_ROWS)],
                    bufe2.at[pl.ds(0, REL_ROWS)])

    @pl.loop(0, REL_ROWS)
    def _(r):
        vs, y = _row_scale(bufe2, r, nvec)
        for k in range(nvec):
            bufe2[r, pl.ds(k * LANES, LANES)] = vs[k] * y

    pltpu.sync_copy(bufe2.at[pl.ds(0, REL_ROWS)],
                    reln_sp.at[pl.ds(start, REL_ROWS)])
    plsc.subcore_barrier()

    relc = [
        pltpu.async_copy(reln_sp.at[idxr_v.at[0]], bufr[0], semr[0]),
        pltpu.async_copy(reln_sp.at[idxr_v.at[1]], bufr[1], semr[1]),
    ]
    outc = [None, None]

    for j in range(nch):
        cur = j % 2
        ecur = j % 3
        entc[ecur].wait()
        if j + 2 < nch:
            entc[(j + 2) % 3] = ent_gather(j + 2, (j + 2) % 3)
        relc[cur].wait()
        if outc[cur] is not None:
            outc[cur].wait()
        be, br, bo = bufe[ecur], bufr[cur], bufo[cur]

        @pl.loop(0, CHUNK)
        def _(r0):
            for r in (r0,):
                evs, ye = _row_scale(be, r, nvec, steps=2)
                for k in range(nvec):
                    bo[r, pl.ds(k * LANES, LANES)] = (
                        evs[k] * ye + br[r, pl.ds(k * LANES, LANES)])

        outc[cur] = pltpu.async_copy(
            bo, out_hbm.at[pl.ds(base + j * CHUNK, CHUNK)], semo[cur])
        if j + 2 < nch:
            relc[cur] = pltpu.async_copy(
                reln_sp.at[idxr_v.at[j + 2]], br, semr[cur])

    for cp in outc:
        if cp is not None:
            cp.wait()


def kernel(batch_source, batch_r, entity_embeddings, relation_embeddings):
    b = batch_source.shape[0]
    d = entity_embeddings.shape[1]
    nrel = relation_embeddings.shape[0]
    nch = b // (NUM_WORKERS * CHUNK)
    idx_e = batch_source.astype(jnp.int32).reshape(NUM_WORKERS, nch, CHUNK)
    idx_r = batch_r.astype(jnp.int32).reshape(NUM_WORKERS, nch, CHUNK)

    mesh = plsc.VectorSubcoreMesh(core_axis_name="c", subcore_axis_name="s")
    cp = pltpu.CompilerParams()
    if "needs_layout_passes" in pltpu.CompilerParams.__dataclass_fields__:
        cp = dataclasses.replace(cp, needs_layout_passes=False)
    run = pl.kernel(
        functools.partial(_transe_body, nch, nrel),
        out_type=jax.ShapeDtypeStruct((b, d), jnp.float32),
        mesh=mesh,
        scratch_types=(
            [pltpu.VMEM((nch, CHUNK), jnp.int32)] * 2
            + [pltpu.VMEM_SHARED((nrel, d), jnp.float32)]
            + [pltpu.VMEM((CHUNK, d), jnp.float32)] * 7
            + [pltpu.SemaphoreType.DMA] * 7
        ),
        compiler_params=cp,
    )
    return run(entity_embeddings, relation_embeddings, idx_e, idx_r)

# --- scband reference (transcript-rebuilt; emitter-appended) ---
"""Pipeline reference for scband-trans-e-41506563949023 (READ-ONLY COPY).

The authoritative reference and input builder live on the scoring server;
editing this copy changes nothing except your own understanding.
"""

import jax, jax.numpy as jnp
import numpy as np

NUM_ENTITIES = 100000
NUM_RELATIONS = 1000
EMBED_DIM = 128
BATCH = 16384


def _l2_normalize(x, eps=1e-12):
    # Matches tf.math.l2_normalize: x * rsqrt(max(sum(x^2), eps))
    sq = jnp.sum(jnp.square(x), axis=-1, keepdims=True)
    return x * jax.lax.rsqrt(jnp.maximum(sq, eps))


def setup_inputs(seed: int = 0) -> dict:
    key = jax.random.key(seed)
    k1, k2, k3, k4 = jax.random.split(key, 4)
    batch_source = jax.random.randint(k1, (BATCH,), 0, NUM_ENTITIES, dtype=jnp.int64 if jax.config.jax_enable_x64 else jnp.int32)
    batch_r = jax.random.randint(k2, (BATCH,), 0, NUM_RELATIONS, dtype=jnp.int64 if jax.config.jax_enable_x64 else jnp.int32)
    stddev = float(np.sqrt(1.0 / EMBED_DIM))
    entity_embeddings = jax.random.truncated_normal(k3, -2.0, 2.0, (NUM_ENTITIES, EMBED_DIM), dtype=jnp.float32) * stddev
    relation_embeddings = jax.random.truncated_normal(k4, -2.0, 2.0, (NUM_RELATIONS, EMBED_DIM), dtype=jnp.float32) * stddev
    return {
        'batch_source': batch_source,
        'batch_r': batch_r,
        'entity_embeddings': entity_embeddings,
        'relation_embeddings': relation_embeddings,
    }


def reference(batch_source, batch_r, entity_embeddings, relation_embeddings):
    # target_entity_type = 'tail' -> translated = source + relation
    embedded_source = _l2_normalize(jnp.take(entity_embeddings, batch_source, axis=0))
    embedded_r = _l2_normalize(jnp.take(relation_embeddings, batch_r, axis=0))
    translated = embedded_source + embedded_r
    return translated

if __name__ == "__main__":
    import jax
    _d = setup_inputs()
    print(jax.jit(kernel)(*tuple(_d.values())))

</pallas_src>

<mosaic_0001>
#map = affine_map<(d0, d1) -> (0, 0)>
#map1 = affine_map<(d0, d1) -> (0, 0, 0)>
module attributes {stable_mosaic.version = 14 : i64} {
  func.func @_transe_body(%arg0: i32, %arg1: i32, %arg2: memref<100000x128xf32, #tpu.memory_space<hbm>>, %arg3: memref<1000x128xf32, #tpu.memory_space<hbm>>, %arg4: memref<32x4x128xi32, #tpu.memory_space<hbm>>, %arg5: memref<32x4x128xi32, #tpu.memory_space<hbm>>, %arg6: memref<16384x128xf32, #tpu.memory_space<hbm>>, %arg7: memref<4x128xi32, #tpu.memory_space<vmem>>, %arg8: memref<4x128xi32, #tpu.memory_space<vmem>>, %arg9: memref<1000x128xf32, #tpu.memory_space<vmem_shared>>, %arg10: memref<128x128xf32, #tpu.memory_space<vmem>>, %arg11: memref<128x128xf32, #tpu.memory_space<vmem>>, %arg12: memref<128x128xf32, #tpu.memory_space<vmem>>, %arg13: memref<128x128xf32, #tpu.memory_space<vmem>>, %arg14: memref<128x128xf32, #tpu.memory_space<vmem>>, %arg15: memref<128x128xf32, #tpu.memory_space<vmem>>, %arg16: memref<128x128xf32, #tpu.memory_space<vmem>>, %arg17: memref<!tpu.dma_semaphore, #tpu.memory_space<semaphore_mem>>, %arg18: memref<!tpu.dma_semaphore, #tpu.memory_space<semaphore_mem>>, %arg19: memref<!tpu.dma_semaphore, #tpu.memory_space<semaphore_mem>>, %arg20: memref<!tpu.dma_semaphore, #tpu.memory_space<semaphore_mem>>, %arg21: memref<!tpu.dma_semaphore, #tpu.memory_space<semaphore_mem>>, %arg22: memref<!tpu.dma_semaphore, #tpu.memory_space<semaphore_mem>>, %arg23: memref<!tpu.dma_semaphore, #tpu.memory_space<semaphore_mem>>) attributes {dimension_semantics = [#tpu.dimension_semantics<core_parallel>, #tpu.dimension_semantics<subcore_parallel>], iteration_bounds = array<i64: 2, 16>, scalar_prefetch = 0 : i64, scratch_operands = 17 : i64, tpu.core_type = #tpu.core_type<sc_vector_subcore>, window_params = [{transform_indices = #map}, {transform_indices = #map}, {transform_indices = #map1}, {transform_indices = #map1}, {transform_indices = #map}]} {
    %mul3A = arith.constant 2 : i32
    %mul3A_0 = arith.muli %arg1, %mul3A : i32
    %add3A = arith.addi %mul3A_0, %arg0 : i32
    %mul3A_1 = arith.constant 512 : i32
    %mul3A_2 = arith.muli %add3A, %mul3A_1 : i32
    "tpu.region"() ({
      %run_scoped3A = tpu.sem_alloc : memref<!tpu.dma_semaphore, #tpu.memory_space<semaphore_mem>>
      %dma_start3A_180 = arith.constant 0 : i32
      %dma_start3A_181 = arith.constant 0 : i32
      %dma_start3A_182 = tpu.memref_slice %arg4[%add3A, %dma_start3A_180, %dma_start3A_181] : memref<32x4x128xi32, #tpu.memory_space<hbm>> -> memref<1x4x128xi32, #tpu.memory_space<hbm>>
      %dma_start3A_183 = tpu.memref_squeeze %dma_start3A_182 : memref<1x4x128xi32, #tpu.memory_space<hbm>> -> memref<4x128xi32, #tpu.memory_space<hbm>>
      %dma_start3A_184 = arith.constant 0 : i32
      %dma_start3A_185 = arith.constant 0 : i32
      %dma_start3A_186 = tpu.memref_slice %arg4[%add3A, %dma_start3A_184, %dma_start3A_185] : memref<32x4x128xi32, #tpu.memory_space<hbm>> -> memref<1x4x128xi32, #tpu.memory_space<hbm>>
      %dma_start3A_187 = tpu.memref_squeeze %dma_start3A_186 : memref<1x4x128xi32, #tpu.memory_space<hbm>> -> memref<4x128xi32, #tpu.memory_space<hbm>>
      tpu.enqueue_dma source(%dma_start3A_187 : memref<4x128xi32, #tpu.memory_space<hbm>>) target(%arg7 : memref<4x128xi32, #tpu.memory_space<vmem>>) target_semaphore(%run_scoped3A : memref<!tpu.dma_semaphore, #tpu.memory_space<semaphore_mem>>)
      %dma_wait3A_188 = arith.constant 0 : i32
      %dma_wait3A_189 = arith.constant 0 : i32
      %dma_wait3A_190 = tpu.memref_slice %arg4[%add3A, %dma_wait3A_188, %dma_wait3A_189] : memref<32x4x128xi32, #tpu.memory_space<hbm>> -> memref<1x4x128xi32, #tpu.memory_space<hbm>>
      %dma_wait3A_191 = tpu.memref_squeeze %dma_wait3A_190 : memref<1x4x128xi32, #tpu.memory_space<hbm>> -> memref<4x128xi32, #tpu.memory_space<hbm>>
      %dma_wait3A_192 = arith.constant 0 : i32
      %dma_wait3A_193 = arith.constant 0 : i32
      %dma_wait3A_194 = tpu.memref_slice %arg4[%add3A, %dma_wait3A_192, %dma_wait3A_193] : memref<32x4x128xi32, #tpu.memory_space<hbm>> -> memref<1x4x128xi32, #tpu.memory_space<hbm>>
      %dma_wait3A_195 = tpu.memref_squeeze %dma_wait3A_194 : memref<1x4x128xi32, #tpu.memory_space<hbm>> -> memref<4x128xi32, #tpu.memory_space<hbm>>
      tpu.wait_dma2 semaphore(%run_scoped3A : memref<!tpu.dma_semaphore, #tpu.memory_space<semaphore_mem>>) src(%dma_wait3A_195 : memref<4x128xi32, #tpu.memory_space<hbm>>) dst(%arg7 : memref<4x128xi32, #tpu.memory_space<vmem>>)
      tpu.yield
    }) : () -> ()
    "tpu.region"() ({
      %run_scoped3A = tpu.sem_alloc : memref<!tpu.dma_semaphore, #tpu.memory_space<semaphore_mem>>
      %dma_start3A_180 = arith.constant 0 : i32
      %dma_start3A_181 = arith.constant 0 : i32
      %dma_start3A_182 = tpu.memref_slice %arg5[%add3A, %dma_start3A_180, %dma_start3A_181] : memref<32x4x128xi32, #tpu.memory_space<hbm>> -> memref<1x4x128xi32, #tpu.memory_space<hbm>>
      %dma_start3A_183 = tpu.memref_squeeze %dma_start3A_182 : memref<1x4x128xi32, #tpu.memory_space<hbm>> -> memref<4x128xi32, #tpu.memory_space<hbm>>
      %dma_start3A_184 = arith.constant 0 : i32
      %dma_start3A_185 = arith.constant 0 : i32
      %dma_start3A_186 = tpu.memref_slice %arg5[%add3A, %dma_start3A_184, %dma_start3A_185] : memref<32x4x128xi32, #tpu.memory_space<hbm>> -> memref<1x4x128xi32, #tpu.memory_space<hbm>>
      %dma_start3A_187 = tpu.memref_squeeze %dma_start3A_186 : memref<1x4x128xi32, #tpu.memory_space<hbm>> -> memref<4x128xi32, #tpu.memory_space<hbm>>
      tpu.enqueue_dma source(%dma_start3A_187 : memref<4x128xi32, #tpu.memory_space<hbm>>) target(%arg8 : memref<4x128xi32, #tpu.memory_space<vmem>>) target_semaphore(%run_scoped3A : memref<!tpu.dma_semaphore, #tpu.memory_space<semaphore_mem>>)
      %dma_wait3A_188 = arith.constant 0 : i32
      %dma_wait3A_189 = arith.constant 0 : i32
      %dma_wait3A_190 = tpu.memref_slice %arg5[%add3A, %dma_wait3A_188, %dma_wait3A_189] : memref<32x4x128xi32, #tpu.memory_space<hbm>> -> memref<1x4x128xi32, #tpu.memory_space<hbm>>
      %dma_wait3A_191 = tpu.memref_squeeze %dma_wait3A_190 : memref<1x4x128xi32, #tpu.memory_space<hbm>> -> memref<4x128xi32, #tpu.memory_space<hbm>>
      %dma_wait3A_192 = arith.constant 0 : i32
      %dma_wait3A_193 = arith.constant 0 : i32
      %dma_wait3A_194 = tpu.memref_slice %arg5[%add3A, %dma_wait3A_192, %dma_wait3A_193] : memref<32x4x128xi32, #tpu.memory_space<hbm>> -> memref<1x4x128xi32, #tpu.memory_space<hbm>>
      %dma_wait3A_195 = tpu.memref_squeeze %dma_wait3A_194 : memref<1x4x128xi32, #tpu.memory_space<hbm>> -> memref<4x128xi32, #tpu.memory_space<hbm>>
      tpu.wait_dma2 semaphore(%run_scoped3A : memref<!tpu.dma_semaphore, #tpu.memory_space<semaphore_mem>>) src(%dma_wait3A_195 : memref<4x128xi32, #tpu.memory_space<hbm>>) dst(%arg8 : memref<4x128xi32, #tpu.memory_space<vmem>>)
      tpu.yield
    }) : () -> ()
    %dma_start3A = arith.constant 0 : i32
    %dma_start3A_3 = arith.constant 0 : i32
    %dma_start3A_4 = tpu.memref_slice %arg7[%dma_start3A, %dma_start3A_3] : memref<4x128xi32, #tpu.memory_space<vmem>> -> memref<1x128xi32, #tpu.memory_space<vmem>>
    %dma_start3A_5 = tpu.memref_squeeze %dma_start3A_4 : memref<1x128xi32, #tpu.memory_space<vmem>> -> memref<128xi32, #tpu.memory_space<vmem>>
    %dma_start3A_6 = arith.constant 0 : i32
    %dma_start3A_7 = arith.constant 0 : i32
    %dma_start3A_8 = tpu.memref_slice %arg2[%dma_start3A_6, %dma_start3A_7] : memref<100000x128xf32, #tpu.memory_space<hbm>> -> memref<100000x128xf32, #tpu.memory_space<hbm>>
    tpu.enqueue_indirect_dma source(%dma_start3A_8 : memref<100000x128xf32, #tpu.memory_space<hbm>>) target(%arg10 : memref<128x128xf32, #tpu.memory_space<vmem>>) offsets(%dma_start3A_5 : memref<128xi32, #tpu.memory_space<vmem>>) semaphore(%arg17 : memref<!tpu.dma_semaphore, #tpu.memory_space<semaphore_mem>>)
    %dma_start3A_9 = arith.constant 1 : i32
    %dma_start3A_10 = arith.constant 0 : i32
    %dma_start3A_11 = tpu.memref_slice %arg7[%dma_start3A_9, %dma_start3A_10] : memref<4x128xi32, #tpu.memory_space<vmem>> -> memref<1x128xi32, #tpu.memory_space<vmem>>
    %dma_start3A_12 = tpu.memref_squeeze %dma_start3A_11 : memref<1x128xi32, #tpu.memory_space<vmem>> -> memref<128xi32, #tpu.memory_space<vmem>>
    %dma_start3A_13 = arith.constant 0 : i32
    %dma_start3A_14 = arith.constant 0 : i32
    %dma_start3A_15 = tpu.memref_slice %arg2[%dma_start3A_13, %dma_start3A_14] : memref<100000x128xf32, #tpu.memory_space<hbm>> -> memref<100000x128xf32, #tpu.memory_space<hbm>>
    tpu.enqueue_indirect_dma source(%dma_start3A_15 : memref<100000x128xf32, #tpu.memory_space<hbm>>) target(%arg11 : memref<128x128xf32, #tpu.memory_space<vmem>>) offsets(%dma_start3A_12 : memref<128xi32, #tpu.memory_space<vmem>>) semaphore(%arg18 : memref<!tpu.dma_semaphore, #tpu.memory_space<semaphore_mem>>)
    %mul3A_16 = arith.constant 64 : i32
    %mul3A_17 = arith.muli %arg1, %mul3A_16 : i32
    %min3A = arith.constant 936 : i32
    %min3A_18 = arith.minsi %mul3A_17, %min3A : i32
    "tpu.region"() ({
      %run_scoped3A = tpu.sem_alloc : memref<!tpu.dma_semaphore, #tpu.memory_space<semaphore_mem>>
      %dma_start3A_180 = arith.constant 0 : i32
      %dma_start3A_181 = arith.constant 0 : i32
      %dma_start3A_182 = tpu.memref_slice %arg12[%dma_start3A_180, %dma_start3A_181] : memref<128x128xf32, #tpu.memory_space<vmem>> -> memref<64x128xf32, #tpu.memory_space<vmem>>
      %dma_start3A_183 = arith.constant 0 : i32
      %dma_start3A_184 = tpu.memref_slice %arg3[%min3A_18, %dma_start3A_183] : memref<1000x128xf32, #tpu.memory_space<hbm>> -> memref<64x128xf32, #tpu.memory_space<hbm>>
      %dma_start3A_185 = arith.constant 0 : i32
      %dma_start3A_186 = arith.constant 0 : i32
      %dma_start3A_187 = tpu.memref_slice %arg12[%dma_start3A_185, %dma_start3A_186] : memref<128x128xf32, #tpu.memory_space<vmem>> -> memref<64x128xf32, #tpu.memory_space<vmem>>
      %dma_start3A_188 = arith.constant 0 : i32
      %dma_start3A_189 = tpu.memref_slice %arg3[%min3A_18, %dma_start3A_188] : memref<1000x128xf32, #tpu.memory_space<hbm>> -> memref<64x128xf32, #tpu.memory_space<hbm>>
      tpu.enqueue_dma source(%dma_start3A_189 : memref<64x128xf32, #tpu.memory_space<hbm>>) target(%dma_start3A_187 : memref<64x128xf32, #tpu.memory_space<vmem>>) target_semaphore(%run_scoped3A : memref<!tpu.dma_semaphore, #tpu.memory_space<semaphore_mem>>)
      %dma_wait3A_190 = arith.constant 0 : i32
      %dma_wait3A_191 = arith.constant 0 : i32
      %dma_wait3A_192 = tpu.memref_slice %arg12[%dma_wait3A_190, %dma_wait3A_191] : memref<128x128xf32, #tpu.memory_space<vmem>> -> memref<64x128xf32, #tpu.memory_space<vmem>>
      %dma_wait3A_193 = arith.constant 0 : i32
      %dma_wait3A_194 = tpu.memref_slice %arg3[%min3A_18, %dma_wait3A_193] : memref<1000x128xf32, #tpu.memory_space<hbm>> -> memref<64x128xf32, #tpu.memory_space<hbm>>
      %dma_wait3A_195 = arith.constant 0 : i32
      %dma_wait3A_196 = arith.constant 0 : i32
      %dma_wait3A_197 = tpu.memref_slice %arg12[%dma_wait3A_195, %dma_wait3A_196] : memref<128x128xf32, #tpu.memory_space<vmem>> -> memref<64x128xf32, #tpu.memory_space<vmem>>
      %dma_wait3A_198 = arith.constant 0 : i32
      %dma_wait3A_199 = tpu.memref_slice %arg3[%min3A_18, %dma_wait3A_198] : memref<1000x128xf32, #tpu.memory_space<hbm>> -> memref<64x128xf32, #tpu.memory_space<hbm>>
      tpu.wait_dma2 semaphore(%run_scoped3A : memref<!tpu.dma_semaphore, #tpu.memory_space<semaphore_mem>>) src(%dma_wait3A_199 : memref<64x128xf32, #tpu.memory_space<hbm>>) dst(%dma_wait3A_197 : memref<64x128xf32, #tpu.memory_space<vmem>>)
      tpu.yield
    }) : () -> ()
    %scan3A = arith.constant 0 : i32
    %scan3A_19 = arith.constant 64 : i32
    %scan3A_20 = arith.addi %scan3A, %scan3A_19 : i32
    %scan3A_21 = arith.constant 1 : i32
    scf.for %scan3A_180 = %scan3A to %scan3A_20 step %scan3A_21  : i32 {
      %mul3A_181 = arith.constant 1 : i32
      %mul3A_182 = arith.muli %scan3A_180, %mul3A_181 : i32
      %add3A_183 = arith.constant 0 : i32
      %add3A_184 = arith.addi %add3A_183, %mul3A_182 : i32
      %get3A = arith.index_cast %add3A_184 : i32 to index
      %get3A_185 = arith.constant 0 : index
      %get3A_186 = tpu.vector_load %arg12[%get3A, %get3A_185] {strides = array<i32>} : memref<128x128xf32, #tpu.memory_space<vmem>>, vector<16xf32>,
      %get3A_187 = arith.index_cast %add3A_184 : i32 to index
      %get3A_188 = arith.constant 16 : index
      %get3A_189 = tpu.vector_load %arg12[%get3A_187, %get3A_188] {strides = array<i32>} : memref<128x128xf32, #tpu.memory_space<vmem>>, vector<16xf32>,
      %get3A_190 = arith.index_cast %add3A_184 : i32 to index
      %get3A_191 = arith.constant 32 : index
      %get3A_192 = tpu.vector_load %arg12[%get3A_190, %get3A_191] {strides = array<i32>} : memref<128x128xf32, #tpu.memory_space<vmem>>, vector<16xf32>,
      %get3A_193 = arith.index_cast %add3A_184 : i32 to index
      %get3A_194 = arith.constant 48 : index
      %get3A_195 = tpu.vector_load %arg12[%get3A_193, %get3A_194] {strides = array<i32>} : memref<128x128xf32, #tpu.memory_space<vmem>>, vector<16xf32>,
      %get3A_196 = arith.index_cast %add3A_184 : i32 to index
      %get3A_197 = arith.constant 64 : index
      %get3A_198 = tpu.vector_load %arg12[%get3A_196, %get3A_197] {strides = array<i32>} : memref<128x128xf32, #tpu.memory_space<vmem>>, vector<16xf32>,
      %get3A_199 = arith.index_cast %add3A_184 : i32 to index
      %get3A_200 = arith.constant 80 : index
      %get3A_201 = tpu.vector_load %arg12[%get3A_199, %get3A_200] {strides = array<i32>} : memref<128x128xf32, #tpu.memory_space<vmem>>, vector<16xf32>,
      %get3A_202 = arith.index_cast %add3A_184 : i32 to index
      %get3A_203 = arith.constant 96 : index
      %get3A_204 = tpu.vector_load %arg12[%get3A_202, %get3A_203] {strides = array<i32>} : memref<128x128xf32, #tpu.memory_space<vmem>>, vector<16xf32>,
      %get3A_205 = arith.index_cast %add3A_184 : i32 to index
      %get3A_206 = arith.constant 112 : index
      %get3A_207 = tpu.vector_load %arg12[%get3A_205, %get3A_206] {strides = array<i32>} : memref<128x128xf32, #tpu.memory_space<vmem>>, vector<16xf32>,
      %mul3A_208 = arith.mulf %get3A_186, %get3A_186 : vector<16xf32>
      %mul3A_209 = arith.mulf %get3A_189, %get3A_189 : vector<16xf32>
      %mul3A_210 = arith.mulf %get3A_192, %get3A_192 : vector<16xf32>
      %mul3A_211 = arith.mulf %get3A_195, %get3A_195 : vector<16xf32>
      %mul3A_212 = arith.mulf %get3A_198, %get3A_198 : vector<16xf32>
      %mul3A_213 = arith.mulf %get3A_201, %get3A_201 : vector<16xf32>
      %mul3A_214 = arith.mulf %get3A_204, %get3A_204 : vector<16xf32>
      %mul3A_215 = arith.mulf %get3A_207, %get3A_207 : vector<16xf32>
      %add3A_216 = arith.addf %mul3A_208, %mul3A_209 : vector<16xf32>
      %add3A_217 = arith.addf %mul3A_210, %mul3A_211 : vector<16xf32>
      %add3A_218 = arith.addf %mul3A_212, %mul3A_213 : vector<16xf32>
      %add3A_219 = arith.addf %mul3A_214, %mul3A_215 : vector<16xf32>
      %add3A_220 = arith.addf %add3A_216, %add3A_217 : vector<16xf32>
      %add3A_221 = arith.addf %add3A_218, %add3A_219 : vector<16xf32>
      %add3A_222 = arith.addf %add3A_220, %add3A_221 : vector<16xf32>
      %reduce_sum3A = arith.constant true
      %reduce_sum3A_223 = vector.broadcast %reduce_sum3A : i1 to vector<16xi1>
      %reduce_sum3A_224 = tpu.scan <sum>, %add3A_222 masked %reduce_sum3A_223 : vector<16xf32>, vector<16xi1> -> vector<16xf32>
      %reduce_sum3A_225 = vector.extract %reduce_sum3A_224[15] : f32 from vector<16xf32>
      %max3A = arith.constant 9.99999996E-13 : f32
      %max3A_226 = arith.maximumf %reduce_sum3A_225, %max3A : f32
      %broadcast_in_dim3A = vector.broadcast %max3A_226 : f32 to vector<16xf32>
      %bitcast_convert_type3A = tpu.bitcast %broadcast_in_dim3A : vector<16xf32> -> vector<16xi32>
      %shift_right_arithmetic3A = arith.constant 1 : i32
      %shift_right_arithmetic3A_227 = vector.broadcast %shift_right_arithmetic3A : i32 to vector<16xi32>
      %shift_right_arithmetic3A_228 = arith.shrsi %bitcast_convert_type3A, %shift_right_arithmetic3A_227 : vector<16xi32>
      %sub3A = arith.constant 1597463007 : i32
      %sub3A_229 = vector.broadcast %sub3A : i32 to vector<16xi32>
      %sub3A_230 = arith.subi %sub3A_229, %shift_right_arithmetic3A_228 : vector<16xi32>
      %bitcast_convert_type3A_231 = tpu.bitcast %sub3A_230 : vector<16xi32> -> vector<16xf32>
      %mul3A_232 = arith.constant 5.000000e-01 : f32
      %mul3A_233 = vector.broadcast %mul3A_232 : f32 to vector<16xf32>
      %mul3A_234 = arith.mulf %broadcast_in_dim3A, %mul3A_233 : vector<16xf32>
      %mul3A_235 = arith.mulf %mul3A_234, %bitcast_convert_type3A_231 : vector<16xf32>
      %mul3A_236 = arith.mulf %mul3A_235, %bitcast_convert_type3A_231 : vector<16xf32>
      %sub3A_237 = arith.constant 1.500000e+00 : f32
      %sub3A_238 = vector.broadcast %sub3A_237 : f32 to vector<16xf32>
      %sub3A_239 = arith.subf %sub3A_238, %mul3A_236 : vector<16xf32>
      %mul3A_240 = arith.mulf %bitcast_convert_type3A_231, %sub3A_239 : vector<16xf32>
      %mul3A_241 = arith.mulf %mul3A_234, %mul3A_240 : vector<16xf32>
      %mul3A_242 = arith.mulf %mul3A_241, %mul3A_240 : vector<16xf32>
      %sub3A_243 = arith.constant 1.500000e+00 : f32
      %sub3A_244 = vector.broadcast %sub3A_243 : f32 to vector<16xf32>
      %sub3A_245 = arith.subf %sub3A_244, %mul3A_242 : vector<16xf32>
      %mul3A_246 = arith.mulf %mul3A_240, %sub3A_245 : vector<16xf32>
      %mul3A_247 = arith.mulf %mul3A_234, %mul3A_246 : vector<16xf32>
      %mul3A_248 = arith.mulf %mul3A_247, %mul3A_246 : vector<16xf32>
      %sub3A_249 = arith.constant 1.500000e+00 : f32
      %sub3A_250 = vector.broadcast %sub3A_249 : f32 to vector<16xf32>
      %sub3A_251 = arith.subf %sub3A_250, %mul3A_248 : vector<16xf32>
      %mul3A_252 = arith.mulf %mul3A_246, %sub3A_251 : vector<16xf32>
      %mul3A_253 = arith.mulf %get3A_186, %mul3A_252 : vector<16xf32>
      %swap3A = arith.index_cast %add3A_184 : i32 to index
      %swap3A_254 = arith.constant 0 : index
      %swap3A_255 = tpu.vector_load %arg12[%swap3A, %swap3A_254] {strides = array<i32>} : memref<128x128xf32, #tpu.memory_space<vmem>>, vector<16xf32>,
      tpu.vector_store %arg12[%swap3A, %swap3A_254], %mul3A_253 {strides = array<i32>} : memref<128x128xf32, #tpu.memory_space<vmem>>, vector<16xf32>,
      %mul3A_256 = arith.mulf %get3A_189, %mul3A_252 : vector<16xf32>
      %swap3A_257 = arith.index_cast %add3A_184 : i32 to index
      %swap3A_258 = arith.constant 16 : index
      %swap3A_259 = tpu.vector_load %arg12[%swap3A_257, %swap3A_258] {strides = array<i32>} : memref<128x128xf32, #tpu.memory_space<vmem>>, vector<16xf32>,
      tpu.vector_store %arg12[%swap3A_257, %swap3A_258], %mul3A_256 {strides = array<i32>} : memref<128x128xf32, #tpu.memory_space<vmem>>, vector<16xf32>,
      %mul3A_260 = arith.mulf %get3A_192, %mul3A_252 : vector<16xf32>
      %swap3A_261 = arith.index_cast %add3A_184 : i32 to index
      %swap3A_262 = arith.constant 32 : index
      %swap3A_263 = tpu.vector_load %arg12[%swap3A_261, %swap3A_262] {strides = array<i32>} : memref<128x128xf32, #tpu.memory_space<vmem>>, vector<16xf32>,
      tpu.vector_store %arg12[%swap3A_261, %swap3A_262], %mul3A_260 {strides = array<i32>} : memref<128x128xf32, #tpu.memory_space<vmem>>, vector<16xf32>,
      %mul3A_264 = arith.mulf %get3A_195, %mul3A_252 : vector<16xf32>
      %swap3A_265 = arith.index_cast %add3A_184 : i32 to index
      %swap3A_266 = arith.constant 48 : index
      %swap3A_267 = tpu.vector_load %arg12[%swap3A_265, %swap3A_266] {strides = array<i32>} : memref<128x128xf32, #tpu.memory_space<vmem>>, vector<16xf32>,
      tpu.vector_store %arg12[%swap3A_265, %swap3A_266], %mul3A_264 {strides = array<i32>} : memref<128x128xf32, #tpu.memory_space<vmem>>, vector<16xf32>,
      %mul3A_268 = arith.mulf %get3A_198, %mul3A_252 : vector<16xf32>
      %swap3A_269 = arith.index_cast %add3A_184 : i32 to index
      %swap3A_270 = arith.constant 64 : index
      %swap3A_271 = tpu.vector_load %arg12[%swap3A_269, %swap3A_270] {strides = array<i32>} : memref<128x128xf32, #tpu.memory_space<vmem>>, vector<16xf32>,
      tpu.vector_store %arg12[%swap3A_269, %swap3A_270], %mul3A_268 {strides = array<i32>} : memref<128x128xf32, #tpu.memory_space<vmem>>, vector<16xf32>,
      %mul3A_272 = arith.mulf %get3A_201, %mul3A_252 : vector<16xf32>
      %swap3A_273 = arith.index_cast %add3A_184 : i32 to index
      %swap3A_274 = arith.constant 80 : index
      %swap3A_275 = tpu.vector_load %arg12[%swap3A_273, %swap3A_274] {strides = array<i32>} : memref<128x128xf32, #tpu.memory_space<vmem>>, vector<16xf32>,
      tpu.vector_store %arg12[%swap3A_273, %swap3A_274], %mul3A_272 {strides = array<i32>} : memref<128x128xf32, #tpu.memory_space<vmem>>, vector<16xf32>,
      %mul3A_276 = arith.mulf %get3A_204, %mul3A_252 : vector<16xf32>
      %swap3A_277 = arith.index_cast %add3A_184 : i32 to index
      %swap3A_278 = arith.constant 96 : index
      %swap3A_279 = tpu.vector_load %arg12[%swap3A_277, %swap3A_278] {strides = array<i32>} : memref<128x128xf32, #tpu.memory_space<vmem>>, vector<16xf32>,
      tpu.vector_store %arg12[%swap3A_277, %swap3A_278], %mul3A_276 {strides = array<i32>} : memref<128x128xf32, #tpu.memory_space<vmem>>, vector<16xf32>,
      %mul3A_280 = arith.mulf %get3A_207, %mul3A_252 : vector<16xf32>
      %swap3A_281 = arith.index_cast %add3A_184 : i32 to index
      %swap3A_282 = arith.constant 112 : index
      %swap3A_283 = tpu.vector_load %arg12[%swap3A_281, %swap3A_282] {strides = array<i32>} : memref<128x128xf32, #tpu.memory_space<vmem>>, vector<16xf32>,
      tpu.vector_store %arg12[%swap3A_281, %swap3A_282], %mul3A_280 {strides = array<i32>} : memref<128x128xf32, #tpu.memory_space<vmem>>, vector<16xf32>,
    }
    %scan3A_22 = arith.constant 64 : i32
    "tpu.region"() ({
      %run_scoped3A = tpu.sem_alloc : memref<!tpu.dma_semaphore, #tpu.memory_space<semaphore_mem>>
      %dma_start3A_180 = arith.constant 0 : i32
      %dma_start3A_181 = arith.constant 0 : i32
      %dma_start3A_182 = tpu.memref_slice %arg12[%dma_start3A_180, %dma_start3A_181] : memref<128x128xf32, #tpu.memory_space<vmem>> -> memref<64x128xf32, #tpu.memory_space<vmem>>
      %dma_start3A_183 = arith.constant 0 : i32
      %dma_start3A_184 = tpu.memref_slice %arg9[%min3A_18, %dma_start3A_183] : memref<1000x128xf32, #tpu.memory_space<vmem_shared>> -> memref<64x128xf32, #tpu.memory_space<vmem_shared>>
      %dma_start3A_185 = arith.constant 0 : i32
      %dma_start3A_186 = tpu.memref_slice %arg9[%min3A_18, %dma_start3A_185] : memref<1000x128xf32, #tpu.memory_space<vmem_shared>> -> memref<64x128xf32, #tpu.memory_space<vmem_shared>>
      %dma_start3A_187 = arith.constant 0 : i32
      %dma_start3A_188 = arith.constant 0 : i32
      %dma_start3A_189 = tpu.memref_slice %arg12[%dma_start3A_187, %dma_start3A_188] : memref<128x128xf32, #tpu.memory_space<vmem>> -> memref<64x128xf32, #tpu.memory_space<vmem>>
      tpu.enqueue_dma source(%dma_start3A_189 : memref<64x128xf32, #tpu.memory_space<vmem>>) target(%dma_start3A_186 : memref<64x128xf32, #tpu.memory_space<vmem_shared>>) target_semaphore(%run_scoped3A : memref<!tpu.dma_semaphore, #tpu.memory_space<semaphore_mem>>)
      %dma_wait3A_190 = arith.constant 0 : i32
      %dma_wait3A_191 = arith.constant 0 : i32
      %dma_wait3A_192 = tpu.memref_slice %arg12[%dma_wait3A_190, %dma_wait3A_191] : memref<128x128xf32, #tpu.memory_space<vmem>> -> memref<64x128xf32, #tpu.memory_space<vmem>>
      %dma_wait3A_193 = arith.constant 0 : i32
      %dma_wait3A_194 = tpu.memref_slice %arg9[%min3A_18, %dma_wait3A_193] : memref<1000x128xf32, #tpu.memory_space<vmem_shared>> -> memref<64x128xf32, #tpu.memory_space<vmem_shared>>
      %dma_wait3A_195 = arith.constant 0 : i32
      %dma_wait3A_196 = tpu.memref_slice %arg9[%min3A_18, %dma_wait3A_195] : memref<1000x128xf32, #tpu.memory_space<vmem_shared>> -> memref<64x128xf32, #tpu.memory_space<vmem_shared>>
      %dma_wait3A_197 = arith.constant 0 : i32
      %dma_wait3A_198 = arith.constant 0 : i32
      %dma_wait3A_199 = tpu.memref_slice %arg12[%dma_wait3A_197, %dma_wait3A_198] : memref<128x128xf32, #tpu.memory_space<vmem>> -> memref<64x128xf32, #tpu.memory_space<vmem>>
      tpu.wait_dma2 semaphore(%run_scoped3A : memref<!tpu.dma_semaphore, #tpu.memory_space<semaphore_mem>>) src(%dma_wait3A_199 : memref<64x128xf32, #tpu.memory_space<vmem>>) dst(%dma_wait3A_196 : memref<64x128xf32, #tpu.memory_space<vmem_shared>>)
      tpu.yield
    }) : () -> ()
    %barrier3A = arith.constant 0 : index
    tpu.barrier barrier_id(%barrier3A)
    %dma_start3A_23 = arith.constant 0 : i32
    %dma_start3A_24 = arith.constant 0 : i32
    %dma_start3A_25 = tpu.memref_slice %arg8[%dma_start3A_23, %dma_start3A_24] : memref<4x128xi32, #tpu.memory_space<vmem>> -> memref<1x128xi32, #tpu.memory_space<vmem>>
    %dma_start3A_26 = tpu.memref_squeeze %dma_start3A_25 : memref<1x128xi32, #tpu.memory_space<vmem>> -> memref<128xi32, #tpu.memory_space<vmem>>
    %dma_start3A_27 = arith.constant 0 : i32
    %dma_start3A_28 = arith.constant 0 : i32
    %dma_start3A_29 = tpu.memref_slice %arg9[%dma_start3A_27, %dma_start3A_28] : memref<1000x128xf32, #tpu.memory_space<vmem_shared>> -> memref<1000x128xf32, #tpu.memory_space<vmem_shared>>
    tpu.enqueue_indirect_dma source(%dma_start3A_29 : memref<1000x128xf32, #tpu.memory_space<vmem_shared>>) target(%arg13 : memref<128x128xf32, #tpu.memory_space<vmem>>) offsets(%dma_start3A_26 : memref<128xi32, #tpu.memory_space<vmem>>) semaphore(%arg20 : memref<!tpu.dma_semaphore, #tpu.memory_space<semaphore_mem>>)
    %dma_start3A_30 = arith.constant 1 : i32
    %dma_start3A_31 = arith.constant 0 : i32
    %dma_start3A_32 = tpu.memref_slice %arg8[%dma_start3A_30, %dma_start3A_31] : memref<4x128xi32, #tpu.memory_space<vmem>> -> memref<1x128xi32, #tpu.memory_space<vmem>>
    %dma_start3A_33 = tpu.memref_squeeze %dma_start3A_32 : memref<1x128xi32, #tpu.memory_space<vmem>> -> memref<128xi32, #tpu.memory_space<vmem>>
    %dma_start3A_34 = arith.constant 0 : i32
    %dma_start3A_35 = arith.constant 0 : i32
    %dma_start3A_36 = tpu.memref_slice %arg9[%dma_start3A_34, %dma_start3A_35] : memref<1000x128xf32, #tpu.memory_space<vmem_shared>> -> memref<1000x128xf32, #tpu.memory_space<vmem_shared>>
    tpu.enqueue_indirect_dma source(%dma_start3A_36 : memref<1000x128xf32, #tpu.memory_space<vmem_shared>>) target(%arg14 : memref<128x128xf32, #tpu.memory_space<vmem>>) offsets(%dma_start3A_33 : memref<128xi32, #tpu.memory_space<vmem>>) semaphore(%arg21 : memref<!tpu.dma_semaphore, #tpu.memory_space<semaphore_mem>>)
    %dma_wait3A = arith.constant 0 : i32
    %dma_wait3A_37 = arith.constant 0 : i32
    %dma_wait3A_38 = tpu.memref_slice %arg7[%dma_wait3A, %dma_wait3A_37] : memref<4x128xi32, #tpu.memory_space<vmem>> -> memref<1x128xi32, #tpu.memory_space<vmem>>
    %dma_wait3A_39 = tpu.memref_squeeze %dma_wait3A_38 : memref<1x128xi32, #tpu.memory_space<vmem>> -> memref<128xi32, #tpu.memory_space<vmem>>
    %dma_wait3A_40 = arith.constant 0 : i32
    %dma_wait3A_41 = arith.constant 0 : i32
    %dma_wait3A_42 = tpu.memref_slice %arg2[%dma_wait3A_40, %dma_wait3A_41] : memref<100000x128xf32, #tpu.memory_space<hbm>> -> memref<100000x128xf32, #tpu.memory_space<hbm>>
    tpu.wait_indirect_dma semaphore(%arg17 : memref<!tpu.dma_semaphore, #tpu.memory_space<semaphore_mem>>) src(%dma_wait3A_42 : memref<100000x128xf32, #tpu.memory_space<hbm>>) dst(%arg10 : memref<128x128xf32, #tpu.memory_space<vmem>>)
    %dma_start3A_43 = arith.constant 2 : i32
    %dma_start3A_44 = arith.constant 0 : i32
    %dma_start3A_45 = tpu.memref_slice %arg7[%dma_start3A_43, %dma_start3A_44] : memref<4x128xi32, #tpu.memory_space<vmem>> -> memref<1x128xi32, #tpu.memory_space<vmem>>
    %dma_start3A_46 = tpu.memref_squeeze %dma_start3A_45 : memref<1x128xi32, #tpu.memory_space<vmem>> -> memref<128xi32, #tpu.memory_space<vmem>>
    %dma_start3A_47 = arith.constant 0 : i32
    %dma_start3A_48 = arith.constant 0 : i32
    %dma_start3A_49 = tpu.memref_slice %arg2[%dma_start3A_47, %dma_start3A_48] : memref<100000x128xf32, #tpu.memory_space<hbm>> -> memref<100000x128xf32, #tpu.memory_space<hbm>>
    tpu.enqueue_indirect_dma source(%dma_start3A_49 : memref<100000x128xf32, #tpu.memory_space<hbm>>) target(%arg12 : memref<128x128xf32, #tpu.memory_space<vmem>>) offsets(%dma_start3A_46 : memref<128xi32, #tpu.memory_space<vmem>>) semaphore(%arg19 : memref<!tpu.dma_semaphore, #tpu.memory_space<semaphore_mem>>)
    %dma_wait3A_50 = arith.constant 0 : i32
    %dma_wait3A_51 = arith.constant 0 : i32
    %dma_wait3A_52 = tpu.memref_slice %arg8[%dma_wait3A_50, %dma_wait3A_51] : memref<4x128xi32, #tpu.memory_space<vmem>> -> memref<1x128xi32, #tpu.memory_space<vmem>>
    %dma_wait3A_53 = tpu.memref_squeeze %dma_wait3A_52 : memref<1x128xi32, #tpu.memory_space<vmem>> -> memref<128xi32, #tpu.memory_space<vmem>>
    %dma_wait3A_54 = arith.constant 0 : i32
    %dma_wait3A_55 = arith.constant 0 : i32
    %dma_wait3A_56 = tpu.memref_slice %arg9[%dma_wait3A_54, %dma_wait3A_55] : memref<1000x128xf32, #tpu.memory_space<vmem_shared>> -> memref<1000x128xf32, #tpu.memory_space<vmem_shared>>
    tpu.wait_indirect_dma semaphore(%arg20 : memref<!tpu.dma_semaphore, #tpu.memory_space<semaphore_mem>>) src(%dma_wait3A_56 : memref<1000x128xf32, #tpu.memory_space<vmem_shared>>) dst(%arg13 : memref<128x128xf32, #tpu.memory_space<vmem>>)
    %scan3A_57 = arith.constant 0 : i32
    %scan3A_58 = arith.constant 128 : i32
    %scan3A_59 = arith.addi %scan3A_57, %scan3A_58 : i32
    %scan3A_60 = arith.constant 1 : i32
    scf.for %scan3A_180 = %scan3A_57 to %scan3A_59 step %scan3A_60  : i32 {
      %mul3A_181 = arith.constant 1 : i32
      %mul3A_182 = arith.muli %scan3A_180, %mul3A_181 : i32
      %add3A_183 = arith.constant 0 : i32
      %add3A_184 = arith.addi %add3A_183, %mul3A_182 : i32
      %get3A = arith.index_cast %add3A_184 : i32 to index
      %get3A_185 = arith.constant 0 : index
      %get3A_186 = tpu.vector_load %arg10[%get3A, %get3A_185] {strides = array<i32>} : memref<128x128xf32, #tpu.memory_space<vmem>>, vector<16xf32>,
      %get3A_187 = arith.index_cast %add3A_184 : i32 to index
      %get3A_188 = arith.constant 16 : index
      %get3A_189 = tpu.vector_load %arg10[%get3A_187, %get3A_188] {strides = array<i32>} : memref<128x128xf32, #tpu.memory_space<vmem>>, vector<16xf32>,
      %get3A_190 = arith.index_cast %add3A_184 : i32 to index
      %get3A_191 = arith.constant 32 : index
      %get3A_192 = tpu.vector_load %arg10[%get3A_190, %get3A_191] {strides = array<i32>} : memref<128x128xf32, #tpu.memory_space<vmem>>, vector<16xf32>,
      %get3A_193 = arith.index_cast %add3A_184 : i32 to index
      %get3A_194 = arith.constant 48 : index
      %get3A_195 = tpu.vector_load %arg10[%get3A_193, %get3A_194] {strides = array<i32>} : memref<128x128xf32, #tpu.memory_space<vmem>>, vector<16xf32>,
      %get3A_196 = arith.index_cast %add3A_184 : i32 to index
      %get3A_197 = arith.constant 64 : index
      %get3A_198 = tpu.vector_load %arg10[%get3A_196, %get3A_197] {strides = array<i32>} : memref<128x128xf32, #tpu.memory_space<vmem>>, vector<16xf32>,
      %get3A_199 = arith.index_cast %add3A_184 : i32 to index
      %get3A_200 = arith.constant 80 : index
      %get3A_201 = tpu.vector_load %arg10[%get3A_199, %get3A_200] {strides = array<i32>} : memref<128x128xf32, #tpu.memory_space<vmem>>, vector<16xf32>,
      %get3A_202 = arith.index_cast %add3A_184 : i32 to index
      %get3A_203 = arith.constant 96 : index
      %get3A_204 = tpu.vector_load %arg10[%get3A_202, %get3A_203] {strides = array<i32>} : memref<128x128xf32, #tpu.memory_space<vmem>>, vector<16xf32>,
      %get3A_205 = arith.index_cast %add3A_184 : i32 to index
      %get3A_206 = arith.constant 112 : index
      %get3A_207 = tpu.vector_load %arg10[%get3A_205, %get3A_206] {strides = array<i32>} : memref<128x128xf32, #tpu.memory_space<vmem>>, vector<16xf32>,
      %mul3A_208 = arith.mulf %get3A_186, %get3A_186 : vector<16xf32>
      %mul3A_209 = arith.mulf %get3A_189, %get3A_189 : vector<16xf32>
      %mul3A_210 = arith.mulf %get3A_192, %get3A_192 : vector<16xf32>
      %mul3A_211 = arith.mulf %get3A_195, %get3A_195 : vector<16xf32>
      %mul3A_212 = arith.mulf %get3A_198, %get3A_198 : vector<16xf32>
      %mul3A_213 = arith.mulf %get3A_201, %get3A_201 : vector<16xf32>
      %mul3A_214 = arith.mulf %get3A_204, %get3A_204 : vector<16xf32>
      %mul3A_215 = arith.mulf %get3A_207, %get3A_207 : vector<16xf32>
      %add3A_216 = arith.addf %mul3A_208, %mul3A_209 : vector<16xf32>
      %add3A_217 = arith.addf %mul3A_210, %mul3A_211 : vector<16xf32>
      %add3A_218 = arith.addf %mul3A_212, %mul3A_213 : vector<16xf32>
      %add3A_219 = arith.addf %mul3A_214, %mul3A_215 : vector<16xf32>
      %add3A_220 = arith.addf %add3A_216, %add3A_217 : vector<16xf32>
      %add3A_221 = arith.addf %add3A_218, %add3A_219 : vector<16xf32>
      %add3A_222 = arith.addf %add3A_220, %add3A_221 : vector<16xf32>
      %reduce_sum3A = arith.constant true
      %reduce_sum3A_223 = vector.broadcast %reduce_sum3A : i1 to vector<16xi1>
      %reduce_sum3A_224 = tpu.scan <sum>, %add3A_222 masked %reduce_sum3A_223 : vector<16xf32>, vector<16xi1> -> vector<16xf32>
      %reduce_sum3A_225 = vector.extract %reduce_sum3A_224[15] : f32 from vector<16xf32>
      %max3A = arith.constant 9.99999996E-13 : f32
      %max3A_226 = arith.maximumf %reduce_sum3A_225, %max3A : f32
      %broadcast_in_dim3A = vector.broadcast %max3A_226 : f32 to vector<16xf32>
      %bitcast_convert_type3A = tpu.bitcast %broadcast_in_dim3A : vector<16xf32> -> vector<16xi32>
      %shift_right_arithmetic3A = arith.constant 1 : i32
      %shift_right_arithmetic3A_227 = vector.broadcast %shift_right_arithmetic3A : i32 to vector<16xi32>
      %shift_right_arithmetic3A_228 = arith.shrsi %bitcast_convert_type3A, %shift_right_arithmetic3A_227 : vector<16xi32>
      %sub3A = arith.constant 1597463007 : i32
      %sub3A_229 = vector.broadcast %sub3A : i32 to vector<16xi32>
      %sub3A_230 = arith.subi %sub3A_229, %shift_right_arithmetic3A_228 : vector<16xi32>
      %bitcast_convert_type3A_231 = tpu.bitcast %sub3A_230 : vector<16xi32> -> vector<16xf32>
      %mul3A_232 = arith.constant 5.000000e-01 : f32
      %mul3A_233 = vector.broadcast %mul3A_232 : f32 to vector<16xf32>
      %mul3A_234 = arith.mulf %broadcast_in_dim3A, %mul3A_233 : vector<16xf32>
      %mul3A_235 = arith.mulf %mul3A_234, %bitcast_convert_type3A_231 : vector<16xf32>
      %mul3A_236 = arith.mulf %mul3A_235, %bitcast_convert_type3A_231 : vector<16xf32>
      %sub3A_237 = arith.constant 1.500000e+00 : f32
      %sub3A_238 = vector.broadcast %sub3A_237 : f32 to vector<16xf32>
      %sub3A_239 = arith.subf %sub3A_238, %mul3A_236 : vector<16xf32>
      %mul3A_240 = arith.mulf %bitcast_convert_type3A_231, %sub3A_239 : vector<16xf32>
      %mul3A_241 = arith.mulf %mul3A_234, %mul3A_240 : vector<16xf32>
      %mul3A_242 = arith.mulf %mul3A_241, %mul3A_240 : vector<16xf32>
      %sub3A_243 = arith.constant 1.500000e+00 : f32
      %sub3A_244 = vector.broadcast %sub3A_243 : f32 to vector<16xf32>
      %sub3A_245 = arith.subf %sub3A_244, %mul3A_242 : vector<16xf32>
      %mul3A_246 = arith.mulf %mul3A_240, %sub3A_245 : vector<16xf32>
      %mul3A_247 = arith.mulf %get3A_186, %mul3A_246 : vector<16xf32>
      %get3A_248 = arith.index_cast %add3A_184 : i32 to index
      %get3A_249 = arith.constant 0 : index
      %get3A_250 = tpu.vector_load %arg13[%get3A_248, %get3A_249] {strides = array<i32>} : memref<128x128xf32, #tpu.memory_space<vmem>>, vector<16xf32>,
      %add3A_251 = arith.addf %mul3A_247, %get3A_250 : vector<16xf32>
      %swap3A = arith.index_cast %add3A_184 : i32 to index
      %swap3A_252 = arith.constant 0 : index
      %swap3A_253 = tpu.vector_load %arg15[%swap3A, %swap3A_252] {strides = array<i32>} : memref<128x128xf32, #tpu.memory_space<vmem>>, vector<16xf32>,
      tpu.vector_store %arg15[%swap3A, %swap3A_252], %add3A_251 {strides = array<i32>} : memref<128x128xf32, #tpu.memory_space<vmem>>, vector<16xf32>,
      %mul3A_254 = arith.mulf %get3A_189, %mul3A_246 : vector<16xf32>
      %get3A_255 = arith.index_cast %add3A_184 : i32 to index
      %get3A_256 = arith.constant 16 : index
      %get3A_257 = tpu.vector_load %arg13[%get3A_255, %get3A_256] {strides = array<i32>} : memref<128x128xf32, #tpu.memory_space<vmem>>, vector<16xf32>,
      %add3A_258 = arith.addf %mul3A_254, %get3A_257 : vector<16xf32>
      %swap3A_259 = arith.index_cast %add3A_184 : i32 to index
      %swap3A_260 = arith.constant 16 : index
      %swap3A_261 = tpu.vector_load %arg15[%swap3A_259, %swap3A_260] {strides = array<i32>} : memref<128x128xf32, #tpu.memory_space<vmem>>, vector<16xf32>,
      tpu.vector_store %arg15[%swap3A_259, %swap3A_260], %add3A_258 {strides = array<i32>} : memref<128x128xf32, #tpu.memory_space<vmem>>, vector<16xf32>,
      %mul3A_262 = arith.mulf %get3A_192, %mul3A_246 : vector<16xf32>
      %get3A_263 = arith.index_cast %add3A_184 : i32 to index
      %get3A_264 = arith.constant 32 : index
      %get3A_265 = tpu.vector_load %arg13[%get3A_263, %get3A_264] {strides = array<i32>} : memref<128x128xf32, #tpu.memory_space<vmem>>, vector<16xf32>,
      %add3A_266 = arith.addf %mul3A_262, %get3A_265 : vector<16xf32>
      %swap3A_267 = arith.index_cast %add3A_184 : i32 to index
      %swap3A_268 = arith.constant 32 : index
      %swap3A_269 = tpu.vector_load %arg15[%swap3A_267, %swap3A_268] {strides = array<i32>} : memref<128x128xf32, #tpu.memory_space<vmem>>, vector<16xf32>,
      tpu.vector_store %arg15[%swap3A_267, %swap3A_268], %add3A_266 {strides = array<i32>} : memref<128x128xf32, #tpu.memory_space<vmem>>, vector<16xf32>,
      %mul3A_270 = arith.mulf %get3A_195, %mul3A_246 : vector<16xf32>
      %get3A_271 = arith.index_cast %add3A_184 : i32 to index
      %get3A_272 = arith.constant 48 : index
      %get3A_273 = tpu.vector_load %arg13[%get3A_271, %get3A_272] {strides = array<i32>} : memref<128x128xf32, #tpu.memory_space<vmem>>, vector<16xf32>,
      %add3A_274 = arith.addf %mul3A_270, %get3A_273 : vector<16xf32>
      %swap3A_275 = arith.index_cast %add3A_184 : i32 to index
      %swap3A_276 = arith.constant 48 : index
      %swap3A_277 = tpu.vector_load %arg15[%swap3A_275, %swap3A_276] {strides = array<i32>} : memref<128x128xf32, #tpu.memory_space<vmem>>, vector<16xf32>,
      tpu.vector_store %arg15[%swap3A_275, %swap3A_276], %add3A_274 {strides = array<i32>} : memref<128x128xf32, #tpu.memory_space<vmem>>, vector<16xf32>,
      %mul3A_278 = arith.mulf %get3A_198, %mul3A_246 : vector<16xf32>
      %get3A_279 = arith.index_cast %add3A_184 : i32 to index
      %get3A_280 = arith.constant 64 : index
      %get3A_281 = tpu.vector_load %arg13[%get3A_279, %get3A_280] {strides = array<i32>} : memref<128x128xf32, #tpu.memory_space<vmem>>, vector<16xf32>,
      %add3A_282 = arith.addf %mul3A_278, %get3A_281 : vector<16xf32>
      %swap3A_283 = arith.index_cast %add3A_184 : i32 to index
      %swap3A_284 = arith.constant 64 : index
      %swap3A_285 = tpu.vector_load %arg15[%swap3A_283, %swap3A_284] {strides = array<i32>} : memref<128x128xf32, #tpu.memory_space<vmem>>, vector<16xf32>,
      tpu.vector_store %arg15[%swap3A_283, %swap3A_284], %add3A_282 {strides = array<i32>} : memref<128x128xf32, #tpu.memory_space<vmem>>, vector<16xf32>,
      %mul3A_286 = arith.mulf %get3A_201, %mul3A_246 : vector<16xf32>
      %get3A_287 = arith.index_cast %add3A_184 : i32 to index
      %get3A_288 = arith.constant 80 : index
      %get3A_289 = tpu.vector_load %arg13[%get3A_287, %get3A_288] {strides = array<i32>} : memref<128x128xf32, #tpu.memory_space<vmem>>, vector<16xf32>,
      %add3A_290 = arith.addf %mul3A_286, %get3A_289 : vector<16xf32>
      %swap3A_291 = arith.index_cast %add3A_184 : i32 to index
      %swap3A_292 = arith.constant 80 : index
      %swap3A_293 = tpu.vector_load %arg15[%swap3A_291, %swap3A_292] {strides = array<i32>} : memref<128x128xf32, #tpu.memory_space<vmem>>, vector<16xf32>,
      tpu.vector_store %arg15[%swap3A_291, %swap3A_292], %add3A_290 {strides = array<i32>} : memref<128x128xf32, #tpu.memory_space<vmem>>, vector<16xf32>,
      %mul3A_294 = arith.mulf %get3A_204, %mul3A_246 : vector<16xf32>
      %get3A_295 = arith.index_cast %add3A_184 : i32 to index
      %get3A_296 = arith.constant 96 : index
      %get3A_297 = tpu.vector_load %arg13[%get3A_295, %get3A_296] {strides = array<i32>} : memref<128x128xf32, #tpu.memory_space<vmem>>, vector<16xf32>,
      %add3A_298 = arith.addf %mul3A_294, %get3A_297 : vector<16xf32>
      %swap3A_299 = arith.index_cast %add3A_184 : i32 to index
      %swap3A_300 = arith.constant 96 : index
      %swap3A_301 = tpu.vector_load %arg15[%swap3A_299, %swap3A_300] {strides = array<i32>} : memref<128x128xf32, #tpu.memory_space<vmem>>, vector<16xf32>,
      tpu.vector_store %arg15[%swap3A_299, %swap3A_300], %add3A_298 {strides = array<i32>} : memref<128x128xf32, #tpu.memory_space<vmem>>, vector<16xf32>,
      %mul3A_302 = arith.mulf %get3A_207, %mul3A_246 : vector<16xf32>
      %get3A_303 = arith.index_cast %add3A_184 : i32 to index
      %get3A_304 = arith.constant 112 : index
      %get3A_305 = tpu.vector_load %arg13[%get3A_303, %get3A_304] {strides = array<i32>} : memref<128x128xf32, #tpu.memory_space<vmem>>, vector<16xf32>,
      %add3A_306 = arith.addf %mul3A_302, %get3A_305 : vector<16xf32>
      %swap3A_307 = arith.index_cast %add3A_184 : i32 to index
      %swap3A_308 = arith.constant 112 : index
      %swap3A_309 = tpu.vector_load %arg15[%swap3A_307, %swap3A_308] {strides = array<i32>} : memref<128x128xf32, #tpu.memory_space<vmem>>, vector<16xf32>,
      tpu.vector_store %arg15[%swap3A_307, %swap3A_308], %add3A_306 {strides = array<i32>} : memref<128x128xf32, #tpu.memory_space<vmem>>, vector<16xf32>,
    }
    %scan3A_61 = arith.constant 128 : i32
    %add3A_62 = arith.constant 0 : i32
    %add3A_63 = arith.addi %mul3A_2, %add3A_62 : i32
    %dma_start3A_64 = arith.constant 0 : i32
    %dma_start3A_65 = tpu.memref_slice %arg6[%add3A_63, %dma_start3A_64] : memref<16384x128xf32, #tpu.memory_space<hbm>> -> memref<128x128xf32, #tpu.memory_space<hbm>>
    %dma_start3A_66 = arith.constant 0 : i32
    %dma_start3A_67 = tpu.memref_slice %arg6[%add3A_63, %dma_start3A_66] : memref<16384x128xf32, #tpu.memory_space<hbm>> -> memref<128x128xf32, #tpu.memory_space<hbm>>
    tpu.enqueue_dma source(%arg15 : memref<128x128xf32, #tpu.memory_space<vmem>>) target(%dma_start3A_67 : memref<128x128xf32, #tpu.memory_space<hbm>>) target_semaphore(%arg22 : memref<!tpu.dma_semaphore, #tpu.memory_space<semaphore_mem>>)
    %dma_start3A_68 = arith.constant 2 : i32
    %dma_start3A_69 = arith.constant 0 : i32
    %dma_start3A_70 = tpu.memref_slice %arg8[%dma_start3A_68, %dma_start3A_69] : memref<4x128xi32, #tpu.memory_space<vmem>> -> memref<1x128xi32, #tpu.memory_space<vmem>>
    %dma_start3A_71 = tpu.memref_squeeze %dma_start3A_70 : memref<1x128xi32, #tpu.memory_space<vmem>> -> memref<128xi32, #tpu.memory_space<vmem>>
    %dma_start3A_72 = arith.constant 0 : i32
    %dma_start3A_73 = arith.constant 0 : i32
    %dma_start3A_74 = tpu.memref_slice %arg9[%dma_start3A_72, %dma_start3A_73] : memref<1000x128xf32, #tpu.memory_space<vmem_shared>> -> memref<1000x128xf32, #tpu.memory_space<vmem_shared>>
    tpu.enqueue_indirect_dma source(%dma_start3A_74 : memref<1000x128xf32, #tpu.memory_space<vmem_shared>>) target(%arg13 : memref<128x128xf32, #tpu.memory_space<vmem>>) offsets(%dma_start3A_71 : memref<128xi32, #tpu.memory_space<vmem>>) semaphore(%arg20 : memref<!tpu.dma_semaphore, #tpu.memory_space<semaphore_mem>>)
    %dma_wait3A_75 = arith.constant 1 : i32
    %dma_wait3A_76 = arith.constant 0 : i32
    %dma_wait3A_77 = tpu.memref_slice %arg7[%dma_wait3A_75, %dma_wait3A_76] : memref<4x128xi32, #tpu.memory_space<vmem>> -> memref<1x128xi32, #tpu.memory_space<vmem>>
    %dma_wait3A_78 = tpu.memref_squeeze %dma_wait3A_77 : memref<1x128xi32, #tpu.memory_space<vmem>> -> memref<128xi32, #tpu.memory_space<vmem>>
    %dma_wait3A_79 = arith.constant 0 : i32
    %dma_wait3A_80 = arith.constant 0 : i32
    %dma_wait3A_81 = tpu.memref_slice %arg2[%dma_wait3A_79, %dma_wait3A_80] : memref<100000x128xf32, #tpu.memory_space<hbm>> -> memref<100000x128xf32, #tpu.memory_space<hbm>>
    tpu.wait_indirect_dma semaphore(%arg18 : memref<!tpu.dma_semaphore, #tpu.memory_space<semaphore_mem>>) src(%dma_wait3A_81 : memref<100000x128xf32, #tpu.memory_space<hbm>>) dst(%arg11 : memref<128x128xf32, #tpu.memory_space<vmem>>)
    %dma_start3A_82 = arith.constant 3 : i32
    %dma_start3A_83 = arith.constant 0 : i32
    %dma_start3A_84 = tpu.memref_slice %arg7[%dma_start3A_82, %dma_start3A_83] : memref<4x128xi32, #tpu.memory_space<vmem>> -> memref<1x128xi32, #tpu.memory_space<vmem>>
    %dma_start3A_85 = tpu.memref_squeeze %dma_start3A_84 : memref<1x128xi32, #tpu.memory_space<vmem>> -> memref<128xi32, #tpu.memory_space<vmem>>
    %dma_start3A_86 = arith.constant 0 : i32
    %dma_start3A_87 = arith.constant 0 : i32
    %dma_start3A_88 = tpu.memref_slice %arg2[%dma_start3A_86, %dma_start3A_87] : memref<100000x128xf32, #tpu.memory_space<hbm>> -> memref<100000x128xf32, #tpu.memory_space<hbm>>
    tpu.enqueue_indirect_dma source(%dma_start3A_88 : memref<100000x128xf32, #tpu.memory_space<hbm>>) target(%arg10 : memref<128x128xf32, #tpu.memory_space<vmem>>) offsets(%dma_start3A_85 : memref<128xi32, #tpu.memory_space<vmem>>) semaphore(%arg17 : memref<!tpu.dma_semaphore, #tpu.memory_space<semaphore_mem>>)
    %dma_wait3A_89 = arith.constant 1 : i32
    %dma_wait3A_90 = arith.constant 0 : i32
    %dma_wait3A_91 = tpu.memref_slice %arg8[%dma_wait3A_89, %dma_wait3A_90] : memref<4x128xi32, #tpu.memory_space<vmem>> -> memref<1x128xi32, #tpu.memory_space<vmem>>
    %dma_wait3A_92 = tpu.memref_squeeze %dma_wait3A_91 : memref<1x128xi32, #tpu.memory_space<vmem>> -> memref<128xi32, #tpu.memory_space<vmem>>
    %dma_wait3A_93 = arith.constant 0 : i32
    %dma_wait3A_94 = arith.constant 0 : i32
    %dma_wait3A_95 = tpu.memref_slice %arg9[%dma_wait3A_93, %dma_wait3A_94] : memref<1000x128xf32, #tpu.memory_space<vmem_shared>> -> memref<1000x128xf32, #tpu.memory_space<vmem_shared>>
    tpu.wait_indirect_dma semaphore(%arg21 : memref<!tpu.dma_semaphore, #tpu.memory_space<semaphore_mem>>) src(%dma_wait3A_95 : memref<1000x128xf32, #tpu.memory_space<vmem_shared>>) dst(%arg14 : memref<128x128xf32, #tpu.memory_space<vmem>>)
    %scan3A_96 = arith.constant 0 : i32
    %scan3A_97 = arith.constant 128 : i32
    %scan3A_98 = arith.addi %scan3A_96, %scan3A_97 : i32
    %scan3A_99 = arith.constant 1 : i32
    scf.for %scan3A_180 = %scan3A_96 to %scan3A_98 step %scan3A_99  : i32 {
      %mul3A_181 = arith.constant 1 : i32
      %mul3A_182 = arith.muli %scan3A_180, %mul3A_181 : i32
      %add3A_183 = arith.constant 0 : i32
      %add3A_184 = arith.addi %add3A_183, %mul3A_182 : i32
      %get3A = arith.index_cast %add3A_184 : i32 to index
      %get3A_185 = arith.constant 0 : index
      %get3A_186 = tpu.vector_load %arg11[%get3A, %get3A_185] {strides = array<i32>} : memref<128x128xf32, #tpu.memory_space<vmem>>, vector<16xf32>,
      %get3A_187 = arith.index_cast %add3A_184 : i32 to index
      %get3A_188 = arith.constant 16 : index
      %get3A_189 = tpu.vector_load %arg11[%get3A_187, %get3A_188] {strides = array<i32>} : memref<128x128xf32, #tpu.memory_space<vmem>>, vector<16xf32>,
      %get3A_190 = arith.index_cast %add3A_184 : i32 to index
      %get3A_191 = arith.constant 32 : index
      %get3A_192 = tpu.vector_load %arg11[%get3A_190, %get3A_191] {strides = array<i32>} : memref<128x128xf32, #tpu.memory_space<vmem>>, vector<16xf32>,
      %get3A_193 = arith.index_cast %add3A_184 : i32 to index
      %get3A_194 = arith.constant 48 : index
      %get3A_195 = tpu.vector_load %arg11[%get3A_193, %get3A_194] {strides = array<i32>} : memref<128x128xf32, #tpu.memory_space<vmem>>, vector<16xf32>,
      %get3A_196 = arith.index_cast %add3A_184 : i32 to index
      %get3A_197 = arith.constant 64 : index
      %get3A_198 = tpu.vector_load %arg11[%get3A_196, %get3A_197] {strides = array<i32>} : memref<128x128xf32, #tpu.memory_space<vmem>>, vector<16xf32>,
      %get3A_199 = arith.index_cast %add3A_184 : i32 to index
      %get3A_200 = arith.constant 80 : index
      %get3A_201 = tpu.vector_load %arg11[%get3A_199, %get3A_200] {strides = array<i32>} : memref<128x128xf32, #tpu.memory_space<vmem>>, vector<16xf32>,
      %get3A_202 = arith.index_cast %add3A_184 : i32 to index
      %get3A_203 = arith.constant 96 : index
      %get3A_204 = tpu.vector_load %arg11[%get3A_202, %get3A_203] {strides = array<i32>} : memref<128x128xf32, #tpu.memory_space<vmem>>, vector<16xf32>,
      %get3A_205 = arith.index_cast %add3A_184 : i32 to index
      %get3A_206 = arith.constant 112 : index
      %get3A_207 = tpu.vector_load %arg11[%get3A_205, %get3A_206] {strides = array<i32>} : memref<128x128xf32, #tpu.memory_space<vmem>>, vector<16xf32>,
      %mul3A_208 = arith.mulf %get3A_186, %get3A_186 : vector<16xf32>
      %mul3A_209 = arith.mulf %get3A_189, %get3A_189 : vector<16xf32>
      %mul3A_210 = arith.mulf %get3A_192, %get3A_192 : vector<16xf32>
      %mul3A_211 = arith.mulf %get3A_195, %get3A_195 : vector<16xf32>
      %mul3A_212 = arith.mulf %get3A_198, %get3A_198 : vector<16xf32>
      %mul3A_213 = arith.mulf %get3A_201, %get3A_201 : vector<16xf32>
      %mul3A_214 = arith.mulf %get3A_204, %get3A_204 : vector<16xf32>
      %mul3A_215 = arith.mulf %get3A_207, %get3A_207 : vector<16xf32>
      %add3A_216 = arith.addf %mul3A_208, %mul3A_209 : vector<16xf32>
      %add3A_217 = arith.addf %mul3A_210, %mul3A_211 : vector<16xf32>
      %add3A_218 = arith.addf %mul3A_212, %mul3A_213 : vector<16xf32>
      %add3A_219 = arith.addf %mul3A_214, %mul3A_215 : vector<16xf32>
      %add3A_220 = arith.addf %add3A_216, %add3A_217 : vector<16xf32>
      %add3A_221 = arith.addf %add3A_218, %add3A_219 : vector<16xf32>
      %add3A_222 = arith.addf %add3A_220, %add3A_221 : vector<16xf32>
      %reduce_sum3A = arith.constant true
      %reduce_sum3A_223 = vector.broadcast %reduce_sum3A : i1 to vector<16xi1>
      %reduce_sum3A_224 = tpu.scan <sum>, %add3A_222 masked %reduce_sum3A_223 : vector<16xf32>, vector<16xi1> -> vector<16xf32>
      %reduce_sum3A_225 = vector.extract %reduce_sum3A_224[15] : f32 from vector<16xf32>
      %max3A = arith.constant 9.99999996E-13 : f32
      %max3A_226 = arith.maximumf %reduce_sum3A_225, %max3A : f32
      %broadcast_in_dim3A = vector.broadcast %max3A_226 : f32 to vector<16xf32>
      %bitcast_convert_type3A = tpu.bitcast %broadcast_in_dim3A : vector<16xf32> -> vector<16xi32>
      %shift_right_arithmetic3A = arith.constant 1 : i32
      %shift_right_arithmetic3A_227 = vector.broadcast %shift_right_arithmetic3A : i32 to vector<16xi32>
      %shift_right_arithmetic3A_228 = arith.shrsi %bitcast_convert_type3A, %shift_right_arithmetic3A_227 : vector<16xi32>
      %sub3A = arith.constant 1597463007 : i32
      %sub3A_229 = vector.broadcast %sub3A : i32 to vector<16xi32>
      %sub3A_230 = arith.subi %sub3A_229, %shift_right_arithmetic3A_228 : vector<16xi32>
      %bitcast_convert_type3A_231 = tpu.bitcast %sub3A_230 : vector<16xi32> -> vector<16xf32>
      %mul3A_232 = arith.constant 5.000000e-01 : f32
      %mul3A_233 = vector.broadcast %mul3A_232 : f32 to vector<16xf32>
      %mul3A_234 = arith.mulf %broadcast_in_dim3A, %mul3A_233 : vector<16xf32>
      %mul3A_235 = arith.mulf %mul3A_234, %bitcast_convert_type3A_231 : vector<16xf32>
      %mul3A_236 = arith.mulf %mul3A_235, %bitcast_convert_type3A_231 : vector<16xf32>
      %sub3A_237 = arith.constant 1.500000e+00 : f32
      %sub3A_238 = vector.broadcast %sub3A_237 : f32 to vector<16xf32>
      %sub3A_239 = arith.subf %sub3A_238, %mul3A_236 : vector<16xf32>
      %mul3A_240 = arith.mulf %bitcast_convert_type3A_231, %sub3A_239 : vector<16xf32>
      %mul3A_241 = arith.mulf %mul3A_234, %mul3A_240 : vector<16xf32>
      %mul3A_242 = arith.mulf %mul3A_241, %mul3A_240 : vector<16xf32>
      %sub3A_243 = arith.constant 1.500000e+00 : f32
      %sub3A_244 = vector.broadcast %sub3A_243 : f32 to vector<16xf32>
      %sub3A_245 = arith.subf %sub3A_244, %mul3A_242 : vector<16xf32>
      %mul3A_246 = arith.mulf %mul3A_240, %sub3A_245 : vector<16xf32>
      %mul3A_247 = arith.mulf %get3A_186, %mul3A_246 : vector<16xf32>
      %get3A_248 = arith.index_cast %add3A_184 : i32 to index
      %get3A_249 = arith.constant 0 : index
      %get3A_250 = tpu.vector_load %arg14[%get3A_248, %get3A_249] {strides = array<i32>} : memref<128x128xf32, #tpu.memory_space<vmem>>, vector<16xf32>,
      %add3A_251 = arith.addf %mul3A_247, %get3A_250 : vector<16xf32>
      %swap3A = arith.index_cast %add3A_184 : i32 to index
      %swap3A_252 = arith.constant 0 : index
      %swap3A_253 = tpu.vector_load %arg16[%swap3A, %swap3A_252] {strides = array<i32>} : memref<128x128xf32, #tpu.memory_space<vmem>>, vector<16xf32>,
      tpu.vector_store %arg16[%swap3A, %swap3A_252], %add3A_251 {strides = array<i32>} : memref<128x128xf32, #tpu.memory_space<vmem>>, vector<16xf32>,
      %mul3A_254 = arith.mulf %get3A_189, %mul3A_246 : vector<16xf32>
      %get3A_255 = arith.index_cast %add3A_184 : i32 to index
      %get3A_256 = arith.constant 16 : index
      %get3A_257 = tpu.vector_load %arg14[%get3A_255, %get3A_256] {strides = array<i32>} : memref<128x128xf32, #tpu.memory_space<vmem>>, vector<16xf32>,
      %add3A_258 = arith.addf %mul3A_254, %get3A_257 : vector<16xf32>
      %swap3A_259 = arith.index_cast %add3A_184 : i32 to index
      %swap3A_260 = arith.constant 16 : index
      %swap3A_261 = tpu.vector_load %arg16[%swap3A_259, %swap3A_260] {strides = array<i32>} : memref<128x128xf32, #tpu.memory_space<vmem>>, vector<16xf32>,
      tpu.vector_store %arg16[%swap3A_259, %swap3A_260], %add3A_258 {strides = array<i32>} : memref<128x128xf32, #tpu.memory_space<vmem>>, vector<16xf32>,
      %mul3A_262 = arith.mulf %get3A_192, %mul3A_246 : vector<16xf32>
      %get3A_263 = arith.index_cast %add3A_184 : i32 to index
      %get3A_264 = arith.constant 32 : index
      %get3A_265 = tpu.vector_load %arg14[%get3A_263, %get3A_264] {strides = array<i32>} : memref<128x128xf32, #tpu.memory_space<vmem>>, vector<16xf32>,
      %add3A_266 = arith.addf %mul3A_262, %get3A_265 : vector<16xf32>
      %swap3A_267 = arith.index_cast %add3A_184 : i32 to index
      %swap3A_268 = arith.constant 32 : index
      %swap3A_269 = tpu.vector_load %arg16[%swap3A_267, %swap3A_268] {strides = array<i32>} : memref<128x128xf32, #tpu.memory_space<vmem>>, vector<16xf32>,
      tpu.vector_store %arg16[%swap3A_267, %swap3A_268], %add3A_266 {strides = array<i32>} : memref<128x128xf32, #tpu.memory_space<vmem>>, vector<16xf32>,
      %mul3A_270 = arith.mulf %get3A_195, %mul3A_246 : vector<16xf32>
      %get3A_271 = arith.index_cast %add3A_184 : i32 to index
      %get3A_272 = arith.constant 48 : index
      %get3A_273 = tpu.vector_load %arg14[%get3A_271, %get3A_272] {strides = array<i32>} : memref<128x128xf32, #tpu.memory_space<vmem>>, vector<16xf32>,
      %add3A_274 = arith.addf %mul3A_270, %get3A_273 : vector<16xf32>
      %swap3A_275 = arith.index_cast %add3A_184 : i32 to index
      %swap3A_276 = arith.constant 48 : index
      %swap3A_277 = tpu.vector_load %arg16[%swap3A_275, %swap3A_276] {strides = array<i32>} : memref<128x128xf32, #tpu.memory_space<vmem>>, vector<16xf32>,
      tpu.vector_store %arg16[%swap3A_275, %swap3A_276], %add3A_274 {strides = array<i32>} : memref<128x128xf32, #tpu.memory_space<vmem>>, vector<16xf32>,
      %mul3A_278 = arith.mulf %get3A_198, %mul3A_246 : vector<16xf32>
      %get3A_279 = arith.index_cast %add3A_184 : i32 to index
      %get3A_280 = arith.constant 64 : index
      %get3A_281 = tpu.vector_load %arg14[%get3A_279, %get3A_280] {strides = array<i32>} : memref<128x128xf32, #tpu.memory_space<vmem>>, vector<16xf32>,
      %add3A_282 = arith.addf %mul3A_278, %get3A_281 : vector<16xf32>
      %swap3A_283 = arith.index_cast %add3A_184 : i32 to index
      %swap3A_284 = arith.constant 64 : index
      %swap3A_285 = tpu.vector_load %arg16[%swap3A_283, %swap3A_284] {strides = array<i32>} : memref<128x128xf32, #tpu.memory_space<vmem>>, vector<16xf32>,
      tpu.vector_store %arg16[%swap3A_283, %swap3A_284], %add3A_282 {strides = array<i32>} : memref<128x128xf32, #tpu.memory_space<vmem>>, vector<16xf32>,
      %mul3A_286 = arith.mulf %get3A_201, %mul3A_246 : vector<16xf32>
      %get3A_287 = arith.index_cast %add3A_184 : i32 to index
      %get3A_288 = arith.constant 80 : index
      %get3A_289 = tpu.vector_load %arg14[%get3A_287, %get3A_288] {strides = array<i32>} : memref<128x128xf32, #tpu.memory_space<vmem>>, vector<16xf32>,
      %add3A_290 = arith.addf %mul3A_286, %get3A_289 : vector<16xf32>
      %swap3A_291 = arith.index_cast %add3A_184 : i32 to index
      %swap3A_292 = arith.constant 80 : index
      %swap3A_293 = tpu.vector_load %arg16[%swap3A_291, %swap3A_292] {strides = array<i32>} : memref<128x128xf32, #tpu.memory_space<vmem>>, vector<16xf32>,
      tpu.vector_store %arg16[%swap3A_291, %swap3A_292], %add3A_290 {strides = array<i32>} : memref<128x128xf32, #tpu.memory_space<vmem>>, vector<16xf32>,
      %mul3A_294 = arith.mulf %get3A_204, %mul3A_246 : vector<16xf32>
      %get3A_295 = arith.index_cast %add3A_184 : i32 to index
      %get3A_296 = arith.constant 96 : index
      %get3A_297 = tpu.vector_load %arg14[%get3A_295, %get3A_296] {strides = array<i32>} : memref<128x128xf32, #tpu.memory_space<vmem>>, vector<16xf32>,
      %add3A_298 = arith.addf %mul3A_294, %get3A_297 : vector<16xf32>
      %swap3A_299 = arith.index_cast %add3A_184 : i32 to index
      %swap3A_300 = arith.constant 96 : index
      %swap3A_301 = tpu.vector_load %arg16[%swap3A_299, %swap3A_300] {strides = array<i32>} : memref<128x128xf32, #tpu.memory_space<vmem>>, vector<16xf32>,
      tpu.vector_store %arg16[%swap3A_299, %swap3A_300], %add3A_298 {strides = array<i32>} : memref<128x128xf32, #tpu.memory_space<vmem>>, vector<16xf32>,
      %mul3A_302 = arith.mulf %get3A_207, %mul3A_246 : vector<16xf32>
      %get3A_303 = arith.index_cast %add3A_184 : i32 to index
      %get3A_304 = arith.constant 112 : index
      %get3A_305 = tpu.vector_load %arg14[%get3A_303, %get3A_304] {strides = array<i32>} : memref<128x128xf32, #tpu.memory_space<vmem>>, vector<16xf32>,
      %add3A_306 = arith.addf %mul3A_302, %get3A_305 : vector<16xf32>
      %swap3A_307 = arith.index_cast %add3A_184 : i32 to index
      %swap3A_308 = arith.constant 112 : index
      %swap3A_309 = tpu.vector_load %arg16[%swap3A_307, %swap3A_308] {strides = array<i32>} : memref<128x128xf32, #tpu.memory_space<vmem>>, vector<16xf32>,
      tpu.vector_store %arg16[%swap3A_307, %swap3A_308], %add3A_306 {strides = array<i32>} : memref<128x128xf32, #tpu.memory_space<vmem>>, vector<16xf32>,
    }
    %scan3A_100 = arith.constant 128 : i32
    %add3A_101 = arith.constant 128 : i32
    %add3A_102 = arith.addi %mul3A_2, %add3A_101 : i32
    %dma_start3A_103 = arith.constant 0 : i32
    %dma_start3A_104 = tpu.memref_slice %arg6[%add3A_102, %dma_start3A_103] : memref<16384x128xf32, #tpu.memory_space<hbm>> -> memref<128x128xf32, #tpu.memory_space<hbm>>
    %dma_start3A_105 = arith.constant 0 : i32
    %dma_start3A_106 = tpu.memref_slice %arg6[%add3A_102, %dma_start3A_105] : memref<16384x128xf32, #tpu.memory_space<hbm>> -> memref<128x128xf32, #tpu.memory_space<hbm>>
    tpu.enqueue_dma source(%arg16 : memref<128x128xf32, #tpu.memory_space<vmem>>) target(%dma_start3A_106 : memref<128x128xf32, #tpu.memory_space<hbm>>) target_semaphore(%arg23 : memref<!tpu.dma_semaphore, #tpu.memory_space<semaphore_mem>>)
    %dma_start3A_107 = arith.constant 3 : i32
    %dma_start3A_108 = arith.constant 0 : i32
    %dma_start3A_109 = tpu.memref_slice %arg8[%dma_start3A_107, %dma_start3A_108] : memref<4x128xi32, #tpu.memory_space<vmem>> -> memref<1x128xi32, #tpu.memory_space<vmem>>
    %dma_start3A_110 = tpu.memref_squeeze %dma_start3A_109 : memref<1x128xi32, #tpu.memory_space<vmem>> -> memref<128xi32, #tpu.memory_space<vmem>>
    %dma_start3A_111 = arith.constant 0 : i32
    %dma_start3A_112 = arith.constant 0 : i32
    %dma_start3A_113 = tpu.memref_slice %arg9[%dma_start3A_111, %dma_start3A_112] : memref<1000x128xf32, #tpu.memory_space<vmem_shared>> -> memref<1000x128xf32, #tpu.memory_space<vmem_shared>>
    tpu.enqueue_indirect_dma source(%dma_start3A_113 : memref<1000x128xf32, #tpu.memory_space<vmem_shared>>) target(%arg14 : memref<128x128xf32, #tpu.memory_space<vmem>>) offsets(%dma_start3A_110 : memref<128xi32, #tpu.memory_space<vmem>>) semaphore(%arg21 : memref<!tpu.dma_semaphore, #tpu.memory_space<semaphore_mem>>)
    %dma_wait3A_114 = arith.constant 2 : i32
    %dma_wait3A_115 = arith.constant 0 : i32
    %dma_wait3A_116 = tpu.memref_slice %arg7[%dma_wait3A_114, %dma_wait3A_115] : memref<4x128xi32, #tpu.memory_space<vmem>> -> memref<1x128xi32, #tpu.memory_space<vmem>>
    %dma_wait3A_117 = tpu.memref_squeeze %dma_wait3A_116 : memref<1x128xi32, #tpu.memory_space<vmem>> -> memref<128xi32, #tpu.memory_space<vmem>>
    %dma_wait3A_118 = arith.constant 0 : i32
    %dma_wait3A_119 = arith.constant 0 : i32
    %dma_wait3A_120 = tpu.memref_slice %arg2[%dma_wait3A_118, %dma_wait3A_119] : memref<100000x128xf32, #tpu.memory_space<hbm>> -> memref<100000x128xf32, #tpu.memory_space<hbm>>
    tpu.wait_indirect_dma semaphore(%arg19 : memref<!tpu.dma_semaphore, #tpu.memory_space<semaphore_mem>>) src(%dma_wait3A_120 : memref<100000x128xf32, #tpu.memory_space<hbm>>) dst(%arg12 : memref<128x128xf32, #tpu.memory_space<vmem>>)
    %dma_wait3A_121 = arith.constant 2 : i32
    %dma_wait3A_122 = arith.constant 0 : i32
    %dma_wait3A_123 = tpu.memref_slice %arg8[%dma_wait3A_121, %dma_wait3A_122] : memref<4x128xi32, #tpu.memory_space<vmem>> -> memref<1x128xi32, #tpu.memory_space<vmem>>
    %dma_wait3A_124 = tpu.memref_squeeze %dma_wait3A_123 : memref<1x128xi32, #tpu.memory_space<vmem>> -> memref<128xi32, #tpu.memory_space<vmem>>
    %dma_wait3A_125 = arith.constant 0 : i32
    %dma_wait3A_126 = arith.constant 0 : i32
    %dma_wait3A_127 = tpu.memref_slice %arg9[%dma_wait3A_125, %dma_wait3A_126] : memref<1000x128xf32, #tpu.memory_space<vmem_shared>> -> memref<1000x128xf32, #tpu.memory_space<vmem_shared>>
    tpu.wait_indirect_dma semaphore(%arg20 : memref<!tpu.dma_semaphore, #tpu.memory_space<semaphore_mem>>) src(%dma_wait3A_127 : memref<1000x128xf32, #tpu.memory_space<vmem_shared>>) dst(%arg13 : memref<128x128xf32, #tpu.memory_space<vmem>>)
    %dma_wait3A_128 = arith.constant 0 : i32
    %dma_wait3A_129 = tpu.memref_slice %arg6[%add3A_63, %dma_wait3A_128] : memref<16384x128xf32, #tpu.memory_space<hbm>> -> memref<128x128xf32, #tpu.memory_space<hbm>>
    %dma_wait3A_130 = arith.constant 0 : i32
    %dma_wait3A_131 = tpu.memref_slice %arg6[%add3A_63, %dma_wait3A_130] : memref<16384x128xf32, #tpu.memory_space<hbm>> -> memref<128x128xf32, #tpu.memory_space<hbm>>
    tpu.wait_dma2 semaphore(%arg22 : memref<!tpu.dma_semaphore, #tpu.memory_space<semaphore_mem>>) src(%arg15 : memref<128x128xf32, #tpu.memory_space<vmem>>) dst(%dma_wait3A_131 : memref<128x128xf32, #tpu.memory_space<hbm>>)
    %scan3A_132 = arith.constant 0 : i32
    %scan3A_133 = arith.constant 128 : i32
    %scan3A_134 = arith.addi %scan3A_132, %scan3A_133 : i32
    %scan3A_135 = arith.constant 1 : i32
    scf.for %scan3A_180 = %scan3A_132 to %scan3A_134 step %scan3A_135  : i32 {
      %mul3A_181 = arith.constant 1 : i32
      %mul3A_182 = arith.muli %scan3A_180, %mul3A_181 : i32
      %add3A_183 = arith.constant 0 : i32
      %add3A_184 = arith.addi %add3A_183, %mul3A_182 : i32
      %get3A = arith.index_cast %add3A_184 : i32 to index
      %get3A_185 = arith.constant 0 : index
      %get3A_186 = tpu.vector_load %arg12[%get3A, %get3A_185] {strides = array<i32>} : memref<128x128xf32, #tpu.memory_space<vmem>>, vector<16xf32>,
      %get3A_187 = arith.index_cast %add3A_184 : i32 to index
      %get3A_188 = arith.constant 16 : index
      %get3A_189 = tpu.vector_load %arg12[%get3A_187, %get3A_188] {strides = array<i32>} : memref<128x128xf32, #tpu.memory_space<vmem>>, vector<16xf32>,
      %get3A_190 = arith.index_cast %add3A_184 : i32 to index
      %get3A_191 = arith.constant 32 : index
      %get3A_192 = tpu.vector_load %arg12[%get3A_190, %get3A_191] {strides = array<i32>} : memref<128x128xf32, #tpu.memory_space<vmem>>, vector<16xf32>,
      %get3A_193 = arith.index_cast %add3A_184 : i32 to index
      %get3A_194 = arith.constant 48 : index
      %get3A_195 = tpu.vector_load %arg12[%get3A_193, %get3A_194] {strides = array<i32>} : memref<128x128xf32, #tpu.memory_space<vmem>>, vector<16xf32>,
      %get3A_196 = arith.index_cast %add3A_184 : i32 to index
      %get3A_197 = arith.constant 64 : index
      %get3A_198 = tpu.vector_load %arg12[%get3A_196, %get3A_197] {strides = array<i32>} : memref<128x128xf32, #tpu.memory_space<vmem>>, vector<16xf32>,
      %get3A_199 = arith.index_cast %add3A_184 : i32 to index
      %get3A_200 = arith.constant 80 : index
      %get3A_201 = tpu.vector_load %arg12[%get3A_199, %get3A_200] {strides = array<i32>} : memref<128x128xf32, #tpu.memory_space<vmem>>, vector<16xf32>,
      %get3A_202 = arith.index_cast %add3A_184 : i32 to index
      %get3A_203 = arith.constant 96 : index
      %get3A_204 = tpu.vector_load %arg12[%get3A_202, %get3A_203] {strides = array<i32>} : memref<128x128xf32, #tpu.memory_space<vmem>>, vector<16xf32>,
      %get3A_205 = arith.index_cast %add3A_184 : i32 to index
      %get3A_206 = arith.constant 112 : index
      %get3A_207 = tpu.vector_load %arg12[%get3A_205, %get3A_206] {strides = array<i32>} : memref<128x128xf32, #tpu.memory_space<vmem>>, vector<16xf32>,
      %mul3A_208 = arith.mulf %get3A_186, %get3A_186 : vector<16xf32>
      %mul3A_209 = arith.mulf %get3A_189, %get3A_189 : vector<16xf32>
      %mul3A_210 = arith.mulf %get3A_192, %get3A_192 : vector<16xf32>
      %mul3A_211 = arith.mulf %get3A_195, %get3A_195 : vector<16xf32>
      %mul3A_212 = arith.mulf %get3A_198, %get3A_198 : vector<16xf32>
      %mul3A_213 = arith.mulf %get3A_201, %get3A_201 : vector<16xf32>
      %mul3A_214 = arith.mulf %get3A_204, %get3A_204 : vector<16xf32>
      %mul3A_215 = arith.mulf %get3A_207, %get3A_207 : vector<16xf32>
      %add3A_216 = arith.addf %mul3A_208, %mul3A_209 : vector<16xf32>
      %add3A_217 = arith.addf %mul3A_210, %mul3A_211 : vector<16xf32>
      %add3A_218 = arith.addf %mul3A_212, %mul3A_213 : vector<16xf32>
      %add3A_219 = arith.addf %mul3A_214, %mul3A_215 : vector<16xf32>
      %add3A_220 = arith.addf %add3A_216, %add3A_217 : vector<16xf32>
      %add3A_221 = arith.addf %add3A_218, %add3A_219 : vector<16xf32>
      %add3A_222 = arith.addf %add3A_220, %add3A_221 : vector<16xf32>
      %reduce_sum3A = arith.constant true
      %reduce_sum3A_223 = vector.broadcast %reduce_sum3A : i1 to vector<16xi1>
      %reduce_sum3A_224 = tpu.scan <sum>, %add3A_222 masked %reduce_sum3A_223 : vector<16xf32>, vector<16xi1> -> vector<16xf32>
      %reduce_sum3A_225 = vector.extract %reduce_sum3A_224[15] : f32 from vector<16xf32>
      %max3A = arith.constant 9.99999996E-13 : f32
      %max3A_226 = arith.maximumf %reduce_sum3A_225, %max3A : f32
      %broadcast_in_dim3A = vector.broadcast %max3A_226 : f32 to vector<16xf32>
      %bitcast_convert_type3A = tpu.bitcast %broadcast_in_dim3A : vector<16xf32> -> vector<16xi32>
      %shift_right_arithmetic3A = arith.constant 1 : i32
      %shift_right_arithmetic3A_227 = vector.broadcast %shift_right_arithmetic3A : i32 to vector<16xi32>
      %shift_right_arithmetic3A_228 = arith.shrsi %bitcast_convert_type3A, %shift_right_arithmetic3A_227 : vector<16xi32>
      %sub3A = arith.constant 1597463007 : i32
      %sub3A_229 = vector.broadcast %sub3A : i32 to vector<16xi32>
      %sub3A_230 = arith.subi %sub3A_229, %shift_right_arithmetic3A_228 : vector<16xi32>
      %bitcast_convert_type3A_231 = tpu.bitcast %sub3A_230 : vector<16xi32> -> vector<16xf32>
      %mul3A_232 = arith.constant 5.000000e-01 : f32
      %mul3A_233 = vector.broadcast %mul3A_232 : f32 to vector<16xf32>
      %mul3A_234 = arith.mulf %broadcast_in_dim3A, %mul3A_233 : vector<16xf32>
      %mul3A_235 = arith.mulf %mul3A_234, %bitcast_convert_type3A_231 : vector<16xf32>
      %mul3A_236 = arith.mulf %mul3A_235, %bitcast_convert_type3A_231 : vector<16xf32>
      %sub3A_237 = arith.constant 1.500000e+00 : f32
      %sub3A_238 = vector.broadcast %sub3A_237 : f32 to vector<16xf32>
      %sub3A_239 = arith.subf %sub3A_238, %mul3A_236 : vector<16xf32>
      %mul3A_240 = arith.mulf %bitcast_convert_type3A_231, %sub3A_239 : vector<16xf32>
      %mul3A_241 = arith.mulf %mul3A_234, %mul3A_240 : vector<16xf32>
      %mul3A_242 = arith.mulf %mul3A_241, %mul3A_240 : vector<16xf32>
      %sub3A_243 = arith.constant 1.500000e+00 : f32
      %sub3A_244 = vector.broadcast %sub3A_243 : f32 to vector<16xf32>
      %sub3A_245 = arith.subf %sub3A_244, %mul3A_242 : vector<16xf32>
      %mul3A_246 = arith.mulf %mul3A_240, %sub3A_245 : vector<16xf32>
      %mul3A_247 = arith.mulf %get3A_186, %mul3A_246 : vector<16xf32>
      %get3A_248 = arith.index_cast %add3A_184 : i32 to index
      %get3A_249 = arith.constant 0 : index
      %get3A_250 = tpu.vector_load %arg13[%get3A_248, %get3A_249] {strides = array<i32>} : memref<128x128xf32, #tpu.memory_space<vmem>>, vector<16xf32>,
      %add3A_251 = arith.addf %mul3A_247, %get3A_250 : vector<16xf32>
      %swap3A = arith.index_cast %add3A_184 : i32 to index
      %swap3A_252 = arith.constant 0 : index
      %swap3A_253 = tpu.vector_load %arg15[%swap3A, %swap3A_252] {strides = array<i32>} : memref<128x128xf32, #tpu.memory_space<vmem>>, vector<16xf32>,
      tpu.vector_store %arg15[%swap3A, %swap3A_252], %add3A_251 {strides = array<i32>} : memref<128x128xf32, #tpu.memory_space<vmem>>, vector<16xf32>,
      %mul3A_254 = arith.mulf %get3A_189, %mul3A_246 : vector<16xf32>
      %get3A_255 = arith.index_cast %add3A_184 : i32 to index
      %get3A_256 = arith.constant 16 : index
      %get3A_257 = tpu.vector_load %arg13[%get3A_255, %get3A_256] {strides = array<i32>} : memref<128x128xf32, #tpu.memory_space<vmem>>, vector<16xf32>,
      %add3A_258 = arith.addf %mul3A_254, %get3A_257 : vector<16xf32>
      %swap3A_259 = arith.index_cast %add3A_184 : i32 to index
      %swap3A_260 = arith.constant 16 : index
      %swap3A_261 = tpu.vector_load %arg15[%swap3A_259, %swap3A_260] {strides = array<i32>} : memref<128x128xf32, #tpu.memory_space<vmem>>, vector<16xf32>,
      tpu.vector_store %arg15[%swap3A_259, %swap3A_260], %add3A_258 {strides = array<i32>} : memref<128x128xf32, #tpu.memory_space<vmem>>, vector<16xf32>,
      %mul3A_262 = arith.mulf %get3A_192, %mul3A_246 : vector<16xf32>
      %get3A_263 = arith.index_cast %add3A_184 : i32 to index
      %get3A_264 = arith.constant 32 : index
      %get3A_265 = tpu.vector_load %arg13[%get3A_263, %get3A_264] {strides = array<i32>} : memref<128x128xf32, #tpu.memory_space<vmem>>, vector<16xf32>,
      %add3A_266 = arith.addf %mul3A_262, %get3A_265 : vector<16xf32>
      %swap3A_267 = arith.index_cast %add3A_184 : i32 to index
      %swap3A_268 = arith.constant 32 : index
      %swap3A_269 = tpu.vector_load %arg15[%swap3A_267, %swap3A_268] {strides = array<i32>} : memref<128x128xf32, #tpu.memory_space<vmem>>, vector<16xf32>,
      tpu.vector_store %arg15[%swap3A_267, %swap3A_268], %add3A_266 {strides = array<i32>} : memref<128x128xf32, #tpu.memory_space<vmem>>, vector<16xf32>,
      %mul3A_270 = arith.mulf %get3A_195, %mul3A_246 : vector<16xf32>
      %get3A_271 = arith.index_cast %add3A_184 : i32 to index
      %get3A_272 = arith.constant 48 : index
      %get3A_273 = tpu.vector_load %arg13[%get3A_271, %get3A_272] {strides = array<i32>} : memref<128x128xf32, #tpu.memory_space<vmem>>, vector<16xf32>,
      %add3A_274 = arith.addf %mul3A_270, %get3A_273 : vector<16xf32>
      %swap3A_275 = arith.index_cast %add3A_184 : i32 to index
      %swap3A_276 = arith.constant 48 : index
      %swap3A_277 = tpu.vector_load %arg15[%swap3A_275, %swap3A_276] {strides = array<i32>} : memref<128x128xf32, #tpu.memory_space<vmem>>, vector<16xf32>,
      tpu.vector_store %arg15[%swap3A_275, %swap3A_276], %add3A_274 {strides = array<i32>} : memref<128x128xf32, #tpu.memory_space<vmem>>, vector<16xf32>,
      %mul3A_278 = arith.mulf %get3A_198, %mul3A_246 : vector<16xf32>
      %get3A_279 = arith.index_cast %add3A_184 : i32 to index
      %get3A_280 = arith.constant 64 : index
      %get3A_281 = tpu.vector_load %arg13[%get3A_279, %get3A_280] {strides = array<i32>} : memref<128x128xf32, #tpu.memory_space<vmem>>, vector<16xf32>,
      %add3A_282 = arith.addf %mul3A_278, %get3A_281 : vector<16xf32>
      %swap3A_283 = arith.index_cast %add3A_184 : i32 to index
      %swap3A_284 = arith.constant 64 : index
      %swap3A_285 = tpu.vector_load %arg15[%swap3A_283, %swap3A_284] {strides = array<i32>} : memref<128x128xf32, #tpu.memory_space<vmem>>, vector<16xf32>,
      tpu.vector_store %arg15[%swap3A_283, %swap3A_284], %add3A_282 {strides = array<i32>} : memref<128x128xf32, #tpu.memory_space<vmem>>, vector<16xf32>,
      %mul3A_286 = arith.mulf %get3A_201, %mul3A_246 : vector<16xf32>
      %get3A_287 = arith.index_cast %add3A_184 : i32 to index
      %get3A_288 = arith.constant 80 : index
      %get3A_289 = tpu.vector_load %arg13[%get3A_287, %get3A_288] {strides = array<i32>} : memref<128x128xf32, #tpu.memory_space<vmem>>, vector<16xf32>,
      %add3A_290 = arith.addf %mul3A_286, %get3A_289 : vector<16xf32>
      %swap3A_291 = arith.index_cast %add3A_184 : i32 to index
      %swap3A_292 = arith.constant 80 : index
      %swap3A_293 = tpu.vector_load %arg15[%swap3A_291, %swap3A_292] {strides = array<i32>} : memref<128x128xf32, #tpu.memory_space<vmem>>, vector<16xf32>,
      tpu.vector_store %arg15[%swap3A_291, %swap3A_292], %add3A_290 {strides = array<i32>} : memref<128x128xf32, #tpu.memory_space<vmem>>, vector<16xf32>,
      %mul3A_294 = arith.mulf %get3A_204, %mul3A_246 : vector<16xf32>
      %get3A_295 = arith.index_cast %add3A_184 : i32 to index
      %get3A_296 = arith.constant 96 : index
      %get3A_297 = tpu.vector_load %arg13[%get3A_295, %get3A_296] {strides = array<i32>} : memref<128x128xf32, #tpu.memory_space<vmem>>, vector<16xf32>,
      %add3A_298 = arith.addf %mul3A_294, %get3A_297 : vector<16xf32>
      %swap3A_299 = arith.index_cast %add3A_184 : i32 to index
      %swap3A_300 = arith.constant 96 : index
      %swap3A_301 = tpu.vector_load %arg15[%swap3A_299, %swap3A_300] {strides = array<i32>} : memref<128x128xf32, #tpu.memory_space<vmem>>, vector<16xf32>,
      tpu.vector_store %arg15[%swap3A_299, %swap3A_300], %add3A_298 {strides = array<i32>} : memref<128x128xf32, #tpu.memory_space<vmem>>, vector<16xf32>,
      %mul3A_302 = arith.mulf %get3A_207, %mul3A_246 : vector<16xf32>
      %get3A_303 = arith.index_cast %add3A_184 : i32 to index
      %get3A_304 = arith.constant 112 : index
      %get3A_305 = tpu.vector_load %arg13[%get3A_303, %get3A_304] {strides = array<i32>} : memref<128x128xf32, #tpu.memory_space<vmem>>, vector<16xf32>,
      %add3A_306 = arith.addf %mul3A_302, %get3A_305 : vector<16xf32>
      %swap3A_307 = arith.index_cast %add3A_184 : i32 to index
      %swap3A_308 = arith.constant 112 : index
      %swap3A_309 = tpu.vector_load %arg15[%swap3A_307, %swap3A_308] {strides = array<i32>} : memref<128x128xf32, #tpu.memory_space<vmem>>, vector<16xf32>,
      tpu.vector_store %arg15[%swap3A_307, %swap3A_308], %add3A_306 {strides = array<i32>} : memref<128x128xf32, #tpu.memory_space<vmem>>, vector<16xf32>,
    }
    %scan3A_136 = arith.constant 128 : i32
    %add3A_137 = arith.constant 256 : i32
    %add3A_138 = arith.addi %mul3A_2, %add3A_137 : i32
    %dma_start3A_139 = arith.constant 0 : i32
    %dma_start3A_140 = tpu.memref_slice %arg6[%add3A_138, %dma_start3A_139] : memref<16384x128xf32, #tpu.memory_space<hbm>> -> memref<128x128xf32, #tpu.memory_space<hbm>>
    %dma_start3A_141 = arith.constant 0 : i32
    %dma_start3A_142 = tpu.memref_slice %arg6[%add3A_138, %dma_start3A_141] : memref<16384x128xf32, #tpu.memory_space<hbm>> -> memref<128x128xf32, #tpu.memory_space<hbm>>
    tpu.enqueue_dma source(%arg15 : memref<128x128xf32, #tpu.memory_space<vmem>>) target(%dma_start3A_142 : memref<128x128xf32, #tpu.memory_space<hbm>>) target_semaphore(%arg22 : memref<!tpu.dma_semaphore, #tpu.memory_space<semaphore_mem>>)
    %dma_wait3A_143 = arith.constant 3 : i32
    %dma_wait3A_144 = arith.constant 0 : i32
    %dma_wait3A_145 = tpu.memref_slice %arg7[%dma_wait3A_143, %dma_wait3A_144] : memref<4x128xi32, #tpu.memory_space<vmem>> -> memref<1x128xi32, #tpu.memory_space<vmem>>
    %dma_wait3A_146 = tpu.memref_squeeze %dma_wait3A_145 : memref<1x128xi32, #tpu.memory_space<vmem>> -> memref<128xi32, #tpu.memory_space<vmem>>
    %dma_wait3A_147 = arith.constant 0 : i32
    %dma_wait3A_148 = arith.constant 0 : i32
    %dma_wait3A_149 = tpu.memref_slice %arg2[%dma_wait3A_147, %dma_wait3A_148] : memref<100000x128xf32, #tpu.memory_space<hbm>> -> memref<100000x128xf32, #tpu.memory_space<hbm>>
    tpu.wait_indirect_dma semaphore(%arg17 : memref<!tpu.dma_semaphore, #tpu.memory_space<semaphore_mem>>) src(%dma_wait3A_149 : memref<100000x128xf32, #tpu.memory_space<hbm>>) dst(%arg10 : memref<128x128xf32, #tpu.memory_space<vmem>>)
    %dma_wait3A_150 = arith.constant 3 : i32
    %dma_wait3A_151 = arith.constant 0 : i32
    %dma_wait3A_152 = tpu.memref_slice %arg8[%dma_wait3A_150, %dma_wait3A_151] : memref<4x128xi32, #tpu.memory_space<vmem>> -> memref<1x128xi32, #tpu.memory_space<vmem>>
    %dma_wait3A_153 = tpu.memref_squeeze %dma_wait3A_152 : memref<1x128xi32, #tpu.memory_space<vmem>> -> memref<128xi32, #tpu.memory_space<vmem>>
    %dma_wait3A_154 = arith.constant 0 : i32
    %dma_wait3A_155 = arith.constant 0 : i32
    %dma_wait3A_156 = tpu.memref_slice %arg9[%dma_wait3A_154, %dma_wait3A_155] : memref<1000x128xf32, #tpu.memory_space<vmem_shared>> -> memref<1000x128xf32, #tpu.memory_space<vmem_shared>>
    tpu.wait_indirect_dma semaphore(%arg21 : memref<!tpu.dma_semaphore, #tpu.memory_space<semaphore_mem>>) src(%dma_wait3A_156 : memref<1000x128xf32, #tpu.memory_space<vmem_shared>>) dst(%arg14 : memref<128x128xf32, #tpu.memory_space<vmem>>)
    %dma_wait3A_157 = arith.constant 0 : i32
    %dma_wait3A_158 = tpu.memref_slice %arg6[%add3A_102, %dma_wait3A_157] : memref<16384x128xf32, #tpu.memory_space<hbm>> -> memref<128x128xf32, #tpu.memory_space<hbm>>
    %dma_wait3A_159 = arith.constant 0 : i32
    %dma_wait3A_160 = tpu.memref_slice %arg6[%add3A_102, %dma_wait3A_159] : memref<16384x128xf32, #tpu.memory_space<hbm>> -> memref<128x128xf32, #tpu.memory_space<hbm>>
    tpu.wait_dma2 semaphore(%arg23 : memref<!tpu.dma_semaphore, #tpu.memory_space<semaphore_mem>>) src(%arg16 : memref<128x128xf32, #tpu.memory_space<vmem>>) dst(%dma_wait3A_160 : memref<128x128xf32, #tpu.memory_space<hbm>>)
    %scan3A_161 = arith.constant 0 : i32
    %scan3A_162 = arith.constant 128 : i32
    %scan3A_163 = arith.addi %scan3A_161, %scan3A_162 : i32
    %scan3A_164 = arith.constant 1 : i32
    scf.for %scan3A_180 = %scan3A_161 to %scan3A_163 step %scan3A_164  : i32 {
      %mul3A_181 = arith.constant 1 : i32
      %mul3A_182 = arith.muli %scan3A_180, %mul3A_181 : i32
      %add3A_183 = arith.constant 0 : i32
      %add3A_184 = arith.addi %add3A_183, %mul3A_182 : i32
      %get3A = arith.index_cast %add3A_184 : i32 to index
      %get3A_185 = arith.constant 0 : index
      %get3A_186 = tpu.vector_load %arg10[%get3A, %get3A_185] {strides = array<i32>} : memref<128x128xf32, #tpu.memory_space<vmem>>, vector<16xf32>,
      %get3A_187 = arith.index_cast %add3A_184 : i32 to index
      %get3A_188 = arith.constant 16 : index
      %get3A_189 = tpu.vector_load %arg10[%get3A_187, %get3A_188] {strides = array<i32>} : memref<128x128xf32, #tpu.memory_space<vmem>>, vector<16xf32>,
      %get3A_190 = arith.index_cast %add3A_184 : i32 to index
      %get3A_191 = arith.constant 32 : index
      %get3A_192 = tpu.vector_load %arg10[%get3A_190, %get3A_191] {strides = array<i32>} : memref<128x128xf32, #tpu.memory_space<vmem>>, vector<16xf32>,
      %get3A_193 = arith.index_cast %add3A_184 : i32 to index
      %get3A_194 = arith.constant 48 : index
      %get3A_195 = tpu.vector_load %arg10[%get3A_193, %get3A_194] {strides = array<i32>} : memref<128x128xf32, #tpu.memory_space<vmem>>, vector<16xf32>,
      %get3A_196 = arith.index_cast %add3A_184 : i32 to index
      %get3A_197 = arith.constant 64 : index
      %get3A_198 = tpu.vector_load %arg10[%get3A_196, %get3A_197] {strides = array<i32>} : memref<128x128xf32, #tpu.memory_space<vmem>>, vector<16xf32>,
      %get3A_199 = arith.index_cast %add3A_184 : i32 to index
      %get3A_200 = arith.constant 80 : index
      %get3A_201 = tpu.vector_load %arg10[%get3A_199, %get3A_200] {strides = array<i32>} : memref<128x128xf32, #tpu.memory_space<vmem>>, vector<16xf32>,
      %get3A_202 = arith.index_cast %add3A_184 : i32 to index
      %get3A_203 = arith.constant 96 : index
      %get3A_204 = tpu.vector_load %arg10[%get3A_202, %get3A_203] {strides = array<i32>} : memref<128x128xf32, #tpu.memory_space<vmem>>, vector<16xf32>,
      %get3A_205 = arith.index_cast %add3A_184 : i32 to index
      %get3A_206 = arith.constant 112 : index
      %get3A_207 = tpu.vector_load %arg10[%get3A_205, %get3A_206] {strides = array<i32>} : memref<128x128xf32, #tpu.memory_space<vmem>>, vector<16xf32>,
      %mul3A_208 = arith.mulf %get3A_186, %get3A_186 : vector<16xf32>
      %mul3A_209 = arith.mulf %get3A_189, %get3A_189 : vector<16xf32>
      %mul3A_210 = arith.mulf %get3A_192, %get3A_192 : vector<16xf32>
      %mul3A_211 = arith.mulf %get3A_195, %get3A_195 : vector<16xf32>
      %mul3A_212 = arith.mulf %get3A_198, %get3A_198 : vector<16xf32>
      %mul3A_213 = arith.mulf %get3A_201, %get3A_201 : vector<16xf32>
      %mul3A_214 = arith.mulf %get3A_204, %get3A_204 : vector<16xf32>
      %mul3A_215 = arith.mulf %get3A_207, %get3A_207 : vector<16xf32>
      %add3A_216 = arith.addf %mul3A_208, %mul3A_209 : vector<16xf32>
      %add3A_217 = arith.addf %mul3A_210, %mul3A_211 : vector<16xf32>
      %add3A_218 = arith.addf %mul3A_212, %mul3A_213 : vector<16xf32>
      %add3A_219 = arith.addf %mul3A_214, %mul3A_215 : vector<16xf32>
      %add3A_220 = arith.addf %add3A_216, %add3A_217 : vector<16xf32>
      %add3A_221 = arith.addf %add3A_218, %add3A_219 : vector<16xf32>
      %add3A_222 = arith.addf %add3A_220, %add3A_221 : vector<16xf32>
      %reduce_sum3A = arith.constant true
      %reduce_sum3A_223 = vector.broadcast %reduce_sum3A : i1 to vector<16xi1>
      %reduce_sum3A_224 = tpu.scan <sum>, %add3A_222 masked %reduce_sum3A_223 : vector<16xf32>, vector<16xi1> -> vector<16xf32>
      %reduce_sum3A_225 = vector.extract %reduce_sum3A_224[15] : f32 from vector<16xf32>
      %max3A = arith.constant 9.99999996E-13 : f32
      %max3A_226 = arith.maximumf %reduce_sum3A_225, %max3A : f32
      %broadcast_in_dim3A = vector.broadcast %max3A_226 : f32 to vector<16xf32>
      %bitcast_convert_type3A = tpu.bitcast %broadcast_in_dim3A : vector<16xf32> -> vector<16xi32>
      %shift_right_arithmetic3A = arith.constant 1 : i32
      %shift_right_arithmetic3A_227 = vector.broadcast %shift_right_arithmetic3A : i32 to vector<16xi32>
      %shift_right_arithmetic3A_228 = arith.shrsi %bitcast_convert_type3A, %shift_right_arithmetic3A_227 : vector<16xi32>
      %sub3A = arith.constant 1597463007 : i32
      %sub3A_229 = vector.broadcast %sub3A : i32 to vector<16xi32>
      %sub3A_230 = arith.subi %sub3A_229, %shift_right_arithmetic3A_228 : vector<16xi32>
      %bitcast_convert_type3A_231 = tpu.bitcast %sub3A_230 : vector<16xi32> -> vector<16xf32>
      %mul3A_232 = arith.constant 5.000000e-01 : f32
      %mul3A_233 = vector.broadcast %mul3A_232 : f32 to vector<16xf32>
      %mul3A_234 = arith.mulf %broadcast_in_dim3A, %mul3A_233 : vector<16xf32>
      %mul3A_235 = arith.mulf %mul3A_234, %bitcast_convert_type3A_231 : vector<16xf32>
      %mul3A_236 = arith.mulf %mul3A_235, %bitcast_convert_type3A_231 : vector<16xf32>
      %sub3A_237 = arith.constant 1.500000e+00 : f32
      %sub3A_238 = vector.broadcast %sub3A_237 : f32 to vector<16xf32>
      %sub3A_239 = arith.subf %sub3A_238, %mul3A_236 : vector<16xf32>
      %mul3A_240 = arith.mulf %bitcast_convert_type3A_231, %sub3A_239 : vector<16xf32>
      %mul3A_241 = arith.mulf %mul3A_234, %mul3A_240 : vector<16xf32>
      %mul3A_242 = arith.mulf %mul3A_241, %mul3A_240 : vector<16xf32>
      %sub3A_243 = arith.constant 1.500000e+00 : f32
      %sub3A_244 = vector.broadcast %sub3A_243 : f32 to vector<16xf32>
      %sub3A_245 = arith.subf %sub3A_244, %mul3A_242 : vector<16xf32>
      %mul3A_246 = arith.mulf %mul3A_240, %sub3A_245 : vector<16xf32>
      %mul3A_247 = arith.mulf %get3A_186, %mul3A_246 : vector<16xf32>
      %get3A_248 = arith.index_cast %add3A_184 : i32 to index
      %get3A_249 = arith.constant 0 : index
      %get3A_250 = tpu.vector_load %arg14[%get3A_248, %get3A_249] {strides = array<i32>} : memref<128x128xf32, #tpu.memory_space<vmem>>, vector<16xf32>,
      %add3A_251 = arith.addf %mul3A_247, %get3A_250 : vector<16xf32>
      %swap3A = arith.index_cast %add3A_184 : i32 to index
      %swap3A_252 = arith.constant 0 : index
      %swap3A_253 = tpu.vector_load %arg16[%swap3A, %swap3A_252] {strides = array<i32>} : memref<128x128xf32, #tpu.memory_space<vmem>>, vector<16xf32>,
      tpu.vector_store %arg16[%swap3A, %swap3A_252], %add3A_251 {strides = array<i32>} : memref<128x128xf32, #tpu.memory_space<vmem>>, vector<16xf32>,
      %mul3A_254 = arith.mulf %get3A_189, %mul3A_246 : vector<16xf32>
      %get3A_255 = arith.index_cast %add3A_184 : i32 to index
      %get3A_256 = arith.constant 16 : index
      %get3A_257 = tpu.vector_load %arg14[%get3A_255, %get3A_256] {strides = array<i32>} : memref<128x128xf32, #tpu.memory_space<vmem>>, vector<16xf32>,
      %add3A_258 = arith.addf %mul3A_254, %get3A_257 : vector<16xf32>
      %swap3A_259 = arith.index_cast %add3A_184 : i32 to index
      %swap3A_260 = arith.constant 16 : index
      %swap3A_261 = tpu.vector_load %arg16[%swap3A_259, %swap3A_260] {strides = array<i32>} : memref<128x128xf32, #tpu.memory_space<vmem>>, vector<16xf32>,
      tpu.vector_store %arg16[%swap3A_259, %swap3A_260], %add3A_258 {strides = array<i32>} : memref<128x128xf32, #tpu.memory_space<vmem>>, vector<16xf32>,
      %mul3A_262 = arith.mulf %get3A_192, %mul3A_246 : vector<16xf32>
      %get3A_263 = arith.index_cast %add3A_184 : i32 to index
      %get3A_264 = arith.constant 32 : index
      %get3A_265 = tpu.vector_load %arg14[%get3A_263, %get3A_264] {strides = array<i32>} : memref<128x128xf32, #tpu.memory_space<vmem>>, vector<16xf32>,
      %add3A_266 = arith.addf %mul3A_262, %get3A_265 : vector<16xf32>
      %swap3A_267 = arith.index_cast %add3A_184 : i32 to index
      %swap3A_268 = arith.constant 32 : index
      %swap3A_269 = tpu.vector_load %arg16[%swap3A_267, %swap3A_268] {strides = array<i32>} : memref<128x128xf32, #tpu.memory_space<vmem>>, vector<16xf32>,
      tpu.vector_store %arg16[%swap3A_267, %swap3A_268], %add3A_266 {strides = array<i32>} : memref<128x128xf32, #tpu.memory_space<vmem>>, vector<16xf32>,
      %mul3A_270 = arith.mulf %get3A_195, %mul3A_246 : vector<16xf32>
      %get3A_271 = arith.index_cast %add3A_184 : i32 to index
      %get3A_272 = arith.constant 48 : index
      %get3A_273 = tpu.vector_load %arg14[%get3A_271, %get3A_272] {strides = array<i32>} : memref<128x128xf32, #tpu.memory_space<vmem>>, vector<16xf32>,
      %add3A_274 = arith.addf %mul3A_270, %get3A_273 : vector<16xf32>
      %swap3A_275 = arith.index_cast %add3A_184 : i32 to index
      %swap3A_276 = arith.constant 48 : index
      %swap3A_277 = tpu.vector_load %arg16[%swap3A_275, %swap3A_276] {strides = array<i32>} : memref<128x128xf32, #tpu.memory_space<vmem>>, vector<16xf32>,
      tpu.vector_store %arg16[%swap3A_275, %swap3A_276], %add3A_274 {strides = array<i32>} : memref<128x128xf32, #tpu.memory_space<vmem>>, vector<16xf32>,
      %mul3A_278 = arith.mulf %get3A_198, %mul3A_246 : vector<16xf32>
      %get3A_279 = arith.index_cast %add3A_184 : i32 to index
      %get3A_280 = arith.constant 64 : index
      %get3A_281 = tpu.vector_load %arg14[%get3A_279, %get3A_280] {strides = array<i32>} : memref<128x128xf32, #tpu.memory_space<vmem>>, vector<16xf32>,
      %add3A_282 = arith.addf %mul3A_278, %get3A_281 : vector<16xf32>
      %swap3A_283 = arith.index_cast %add3A_184 : i32 to index
      %swap3A_284 = arith.constant 64 : index
      %swap3A_285 = tpu.vector_load %arg16[%swap3A_283, %swap3A_284] {strides = array<i32>} : memref<128x128xf32, #tpu.memory_space<vmem>>, vector<16xf32>,
      tpu.vector_store %arg16[%swap3A_283, %swap3A_284], %add3A_282 {strides = array<i32>} : memref<128x128xf32, #tpu.memory_space<vmem>>, vector<16xf32>,
      %mul3A_286 = arith.mulf %get3A_201, %mul3A_246 : vector<16xf32>
      %get3A_287 = arith.index_cast %add3A_184 : i32 to index
      %get3A_288 = arith.constant 80 : index
      %get3A_289 = tpu.vector_load %arg14[%get3A_287, %get3A_288] {strides = array<i32>} : memref<128x128xf32, #tpu.memory_space<vmem>>, vector<16xf32>,
      %add3A_290 = arith.addf %mul3A_286, %get3A_289 : vector<16xf32>
      %swap3A_291 = arith.index_cast %add3A_184 : i32 to index
      %swap3A_292 = arith.constant 80 : index
      %swap3A_293 = tpu.vector_load %arg16[%swap3A_291, %swap3A_292] {strides = array<i32>} : memref<128x128xf32, #tpu.memory_space<vmem>>, vector<16xf32>,
      tpu.vector_store %arg16[%swap3A_291, %swap3A_292], %add3A_290 {strides = array<i32>} : memref<128x128xf32, #tpu.memory_space<vmem>>, vector<16xf32>,
      %mul3A_294 = arith.mulf %get3A_204, %mul3A_246 : vector<16xf32>
      %get3A_295 = arith.index_cast %add3A_184 : i32 to index
      %get3A_296 = arith.constant 96 : index
      %get3A_297 = tpu.vector_load %arg14[%get3A_295, %get3A_296] {strides = array<i32>} : memref<128x128xf32, #tpu.memory_space<vmem>>, vector<16xf32>,
      %add3A_298 = arith.addf %mul3A_294, %get3A_297 : vector<16xf32>
      %swap3A_299 = arith.index_cast %add3A_184 : i32 to index
      %swap3A_300 = arith.constant 96 : index
      %swap3A_301 = tpu.vector_load %arg16[%swap3A_299, %swap3A_300] {strides = array<i32>} : memref<128x128xf32, #tpu.memory_space<vmem>>, vector<16xf32>,
      tpu.vector_store %arg16[%swap3A_299, %swap3A_300], %add3A_298 {strides = array<i32>} : memref<128x128xf32, #tpu.memory_space<vmem>>, vector<16xf32>,
      %mul3A_302 = arith.mulf %get3A_207, %mul3A_246 : vector<16xf32>
      %get3A_303 = arith.index_cast %add3A_184 : i32 to index
      %get3A_304 = arith.constant 112 : index
      %get3A_305 = tpu.vector_load %arg14[%get3A_303, %get3A_304] {strides = array<i32>} : memref<128x128xf32, #tpu.memory_space<vmem>>, vector<16xf32>,
      %add3A_306 = arith.addf %mul3A_302, %get3A_305 : vector<16xf32>
      %swap3A_307 = arith.index_cast %add3A_184 : i32 to index
      %swap3A_308 = arith.constant 112 : index
      %swap3A_309 = tpu.vector_load %arg16[%swap3A_307, %swap3A_308] {strides = array<i32>} : memref<128x128xf32, #tpu.memory_space<vmem>>, vector<16xf32>,
      tpu.vector_store %arg16[%swap3A_307, %swap3A_308], %add3A_306 {strides = array<i32>} : memref<128x128xf32, #tpu.memory_space<vmem>>, vector<16xf32>,
    }
    %scan3A_165 = arith.constant 128 : i32
    %add3A_166 = arith.constant 384 : i32
    %add3A_167 = arith.addi %mul3A_2, %add3A_166 : i32
    %dma_start3A_168 = arith.constant 0 : i32
    %dma_start3A_169 = tpu.memref_slice %arg6[%add3A_167, %dma_start3A_168] : memref<16384x128xf32, #tpu.memory_space<hbm>> -> memref<128x128xf32, #tpu.memory_space<hbm>>
    %dma_start3A_170 = arith.constant 0 : i32
    %dma_start3A_171 = tpu.memref_slice %arg6[%add3A_167, %dma_start3A_170] : memref<16384x128xf32, #tpu.memory_space<hbm>> -> memref<128x128xf32, #tpu.memory_space<hbm>>
    tpu.enqueue_dma source(%arg16 : memref<128x128xf32, #tpu.memory_space<vmem>>) target(%dma_start3A_171 : memref<128x128xf32, #tpu.memory_space<hbm>>) target_semaphore(%arg23 : memref<!tpu.dma_semaphore, #tpu.memory_space<semaphore_mem>>)
    %dma_wait3A_172 = arith.constant 0 : i32
    %dma_wait3A_173 = tpu.memref_slice %arg6[%add3A_138, %dma_wait3A_172] : memref<16384x128xf32, #tpu.memory_space<hbm>> -> memref<128x128xf32, #tpu.memory_space<hbm>>
    %dma_wait3A_174 = arith.constant 0 : i32
    %dma_wait3A_175 = tpu.memref_slice %arg6[%add3A_138, %dma_wait3A_174] : memref<16384x128xf32, #tpu.memory_space<hbm>> -> memref<128x128xf32, #tpu.memory_space<hbm>>
    tpu.wait_dma2 semaphore(%arg22 : memref<!tpu.dma_semaphore, #tpu.memory_space<semaphore_mem>>) src(%arg15 : memref<128x128xf32, #tpu.memory_space<vmem>>) dst(%dma_wait3A_175 : memref<128x128xf32, #tpu.memory_space<hbm>>)
    %dma_wait3A_176 = arith.constant 0 : i32
    %dma_wait3A_177 = tpu.memref_slice %arg6[%add3A_167, %dma_wait3A_176] : memref<16384x128xf32, #tpu.memory_space<hbm>> -> memref<128x128xf32, #tpu.memory_space<hbm>>
    %dma_wait3A_178 = arith.constant 0 : i32
    %dma_wait3A_179 = tpu.memref_slice %arg6[%add3A_167, %dma_wait3A_178] : memref<16384x128xf32, #tpu.memory_space<hbm>> -> memref<128x128xf32, #tpu.memory_space<hbm>>
    tpu.wait_dma2 semaphore(%arg23 : memref<!tpu.dma_semaphore, #tpu.memory_space<semaphore_mem>>) src(%arg16 : memref<128x128xf32, #tpu.memory_space<vmem>>) dst(%dma_wait3A_179 : memref<128x128xf32, #tpu.memory_space<hbm>>)
    return
  }
}

</mosaic_0001>

<sc_bundles>
// kernel: kernel.3.cloned.1.call-start
scs
__scs_entry_jumppad:
0x0: {  	(pc) =	sbr.rel $0x88, $3  }
0x1: {  	(tag) =	ssettag $0x0;
	lr =	simm.s32 $0x1  }
0x2: {  	[smem:$0x3F9D] =	sst lr;
	_ =	strace $0xD0000000  }
0x3: {  	_ = 	snop  }
0x4: {  	_ = 	snop  }
0x5: {  	_ = 	snop  }
0x6: {  	_ = 	snop  }
0x7: {  	_ = 	snop  }
__scs_overlays_trampoline_lowered:
0x8: {  	[smem:$0x3FAC] =	sst s0  }
0x9: {  	[smem:$0x3FAD] =	sst s1  }
0xa: {  	[smem:$0x3FAE] =	sst s2  }
0xb: {  	[smem:$0x3FAF] =	sst s3  }
0xc: {  	[smem:$0x3FB0] =	sst s4  }
0xd: {  	[smem:$0x3FB1] =	sst s5  }
0xe: {  	[smem:$0x3FB2] =	sst s6  }
0xf: {  	[smem:$0x3FB3] =	sst s7  }
0x10: {  	[smem:$0x3FB4] =	sst s8  }
0x11: {  	[smem:$0x3FB5] =	sst s9;
	s0 =	simm.s32 @!p0 $0x0  }
0x12: {  	s1 =	sld [smem:$0x3F9B];
	s0 =	simm.s32 @p0 $0x1  }
0x13: {  	[smem:$0x3FB6] =	sst s0;
	s0 =	simm.s32 @!p1 $0x0  }
0x14: {  	s2 =	sld [smem:$0x3F9A];
	s0 =	simm.s32 @p1 $0x1  }
0x15: {  	[smem:$0x3FB7] =	sst s0;
	s0 =	simm.s32 @!p2 $0x0  }
0x16: {  	s3 =	sld [smem:$0x3FDB];
	s0 =	simm.s32 @p2 $0x1  }
0x17: {  	s4 =	simm.s32 $0x1BF5;
	[smem:$0x3FB9] =	sst s0  }
0x18: {  	s0 =	sld [smem:$0x3F9C];
	_ =	swait.ge [sflag:s4], $0x0  }
0x19: {  	s7 =	sld [smem:$0x3F9D]  }
0x1a: {  	s8 =	sadd.s32 $0xFFFFE003, lr  }
0x1b: {  	s9 =	sadd.s32 $0xFFFFFEF7, lr;
	s5 =	simm.s32 $0xFFFFFFFF;
	p2 =	slt.u32 s8, $0xFFFFF086  }
0x1c: {  	p1 =	slt.u32 s9, $0xF7A;
	s5 =	simm.s32 @!p2 $0x0  }
0x1d: {  	s5 =	simm.s32 @p1 $0x1;
	p0 =	seq.s32 s7, s2  }
0x1e: {  	s7 =	smul.u32 @!p0 $0xF7A, s2;
	p2 =	seq.s32 @!p0 s5, $0x0  }
0x1f: {  	s9 =	smul.u32 $0xF7A, s1;
	s8 =	simm.s32 @!p0 $0x1BF5;
	p2 =	por !p2, p0  }
0x20: {  	[sflag:s8] =	ssyncset.s32 @!p0 $0xFFFFF086;
	s6 =	sadd.s32 @!p0 s3, s7;
	s7 =	simm.s32 @!p0 $0x108  }
0x21: {  	s3 =	sadd.s32 s3, s9;
	s6 =	sadd.s32 @!p0 $0x88, s6;
	s7 =	simm.s32 @p2 $0x1082  }
0x22: {  	[simem:s7], [sflag:s8] =	dma.local @!p0 [hbm:s6], $0xF7A  }
0x23: {  	s9 =	sor.u32 $0xD0000000, s2;
	s6 =	simm.s32 $0x108;
	_ =	swait.ge @!p0 [sflag:s8], $0x0  }
0x24: {  	s3 =	sadd.s32 $0x88, s3;
	s6 =	simm.s32 @!p1 $0x1082;
	[sflag:s4] =	ssyncset.s32 $0xFFFFF086  }
0x25: {  	[simem:s6], [sflag:s4] =	dma.local [hbm:s3], $0xF7A  }
0x26: {  	[smem:$0x3F9D] =	sst s1;
	(tag) =	ssettag s2;
	_ =	strace s9  }
0x27: {  	s1 =	sld [smem:$0x3FAD]  }
0x28: {  	s2 =	sld [smem:$0x3FAE]  }
0x29: {  	s4 =	sld [smem:$0x3FB0]  }
0x2a: {  	p0 =	seq.s32 s5, $0x0;
	s5 =	sld [smem:$0x3FB1]  }
0x2b: {  	s6 =	sld [smem:$0x3FB2]  }
0x2c: {  	s7 =	sld [smem:$0x3FB3]  }
0x2d: {  	s3 =	simm.s32 $0x108;
	s8 =	sld [smem:$0x3FB4]  }
0x2e: {  	s3 =	simm.s32 @!p0 $0x1082;
	s9 =	sld [smem:$0x3FB5]  }
0x2f: {  	lr =	sadd.s32 s0, s3;
	s0 =	sld [smem:$0x3FAC]  }
0x30: {  	s3 =	sld [smem:$0x3FAF]  }
0x31: {  	[smem:$0x3FB8] =	sst s10  }
0x32: {  	s10 =	sld [smem:$0x3FB6];
	_ =	sdelay $0x3  }
0x33: {  	p0 =	seq.s32 s10, $0x1;
	s10 =	sld [smem:$0x3FB8];
	_ =	sdelay $0x3  }
0x34: {  	[smem:$0x3FB8] =	sst s10  }
0x35: {  	s10 =	sld [smem:$0x3FB7];
	_ =	sdelay $0x3  }
0x36: {  	p1 =	seq.s32 s10, $0x1;
	s10 =	sld [smem:$0x3FB8];
	_ =	sdelay $0x3  }
0x37: {  	[smem:$0x3FB8] =	sst s10  }
0x38: {  	s10 =	sld [smem:$0x3FB9]  }
0x39: {  	_ = 	snop;
	(pc) =	sbr.ind lr, $3  }
0x3a: {  	_ = 	snop  }
0x3b: {  	_ = 	snop  }
0x3c: {  	p2 =	seq.s32 s10, $0x1;
	s10 =	sld [smem:$0x3FB8]  }
0x3d: {  	_ =	shalt  }
0x3e: {  	_ =	shalt  }
0x3f: {  	_ =	shalt  }
0x40: {  	_ =	shalt  }
0x41: {  	_ =	shalt  }
0x42: {  	_ =	shalt  }
0x43: {  	_ =	shalt  }
0x44: {  	_ =	shalt  }
0x45: {  	_ =	shalt  }
0x46: {  	_ =	shalt  }
0x47: {  	_ =	shalt  }
0x48: {  	_ =	shalt  }
0x49: {  	_ =	shalt  }
0x4a: {  	_ =	shalt  }
0x4b: {  	_ =	shalt  }
0x4c: {  	_ =	shalt  }
0x4d: {  	_ =	shalt  }
0x4e: {  	_ =	shalt  }
0x4f: {  	_ =	shalt  }
0x50: {  	_ =	shalt  }
0x51: {  	_ =	shalt  }
0x52: {  	_ =	shalt  }
0x53: {  	_ =	shalt  }
0x54: {  	_ =	shalt  }
0x55: {  	_ =	shalt  }
0x56: {  	_ =	shalt  }
0x57: {  	_ =	shalt  }
0x58: {  	_ =	shalt  }
0x59: {  	_ =	shalt  }
0x5a: {  	_ =	shalt  }
0x5b: {  	_ =	shalt  }
0x5c: {  	_ =	shalt  }
0x5d: {  	_ =	shalt  }
0x5e: {  	_ =	shalt  }
0x5f: {  	_ =	shalt  }
0x60: {  	_ =	shalt  }
0x61: {  	_ =	shalt  }
0x62: {  	_ =	shalt  }
0x63: {  	_ =	shalt  }
0x64: {  	_ =	shalt  }
0x65: {  	_ =	shalt  }
0x66: {  	_ =	shalt  }
0x67: {  	_ =	shalt  }
0x68: {  	_ =	shalt  }
0x69: {  	_ =	shalt  }
0x6a: {  	_ =	shalt  }
0x6b: {  	_ =	shalt  }
0x6c: {  	_ =	shalt  }
0x6d: {  	_ =	shalt  }
0x6e: {  	_ =	shalt  }
0x6f: {  	_ =	shalt  }
0x70: {  	_ =	shalt  }
0x71: {  	_ =	shalt  }
0x72: {  	_ =	shalt  }
0x73: {  	_ =	shalt  }
0x74: {  	_ =	shalt  }
0x75: {  	_ =	shalt  }
0x76: {  	_ =	shalt  }
0x77: {  	_ =	shalt  }
0x78: {  	_ =	shalt  }
0x79: {  	_ =	shalt  }
0x7a: {  	_ =	shalt  }
0x7b: {  	_ =	shalt  }
0x7c: {  	_ =	shalt  }
0x7d: {  	_ =	shalt  }
0x7e: {  	_ =	shalt  }
0x7f: {  	_ =	shalt  }
0x80: {  	_ =	shalt  }
0x81: {  	_ =	shalt  }
0x82: {  	_ =	shalt  }
0x83: {  	_ =	shalt  }
0x84: {  	_ =	shalt  }
0x85: {  	_ =	shalt  }
0x86: {  	_ =	shalt  }
0x87: {  	_ =	shalt  }
.Lfunc_end0:
.L_simem_size_0:
called_computation_lowered:
.L_overlay_start_0:
0x88: {  	s2 =	sld [smem:$0x3FD9]  }
0x89: {  	s3 =	sld [smem:$0x3FFE];
	_ =	sdelay $0x1  }
0x8a: {  	s1 =	srdreg.scid  }
0x8b: {  	s0 =	sand.u32 $0x1, s1  }
0x8c: {  	s18 =	sshll.u32 s0, $0xA;
	s2 =	sadd.s32 s3, s2  }
0x8d: {  	s2 =	sadd.s32 s2, s18  }
0x8e: {  	[smem:$0x3FC4] =	sst s2  }
0x8f: {  	_ = 	snop  }
0x90: {  	s2 =	sld [smem:$0x3FC9]  }
0x91: {  	s19 =	sld [smem:$0x3FC8]  }
0x92: {  	s4 =	sld [smem:$0x3FC7]  }
0x93: {  	s5 =	sld [smem:$0x3FC6]  }
0x94: {  	s6 =	sld [smem:$0x3FD0];
	(tm) =	ssettm $0x1  }
0x95: {  	s7 =	sld [smem:$0x3FFB];
	_ =	sdelay $0x3  }
0x96: {  	_ =	strace s7  }
0x97: {  	s7 =	sld [smem:$0x3FFC];
	_ =	sdelay $0x3  }
0x98: {  	_ =	strace s7  }
0x99: {  	s7 =	sld [smem:$0x3FFD];
	_ =	sdelay $0x3  }
0x9a: {  	_ =	strace s7  }
0x9b: {  	_ =	strace $0x8FFFFFFF  }
0x9c: {  	s20 =	sld [smem:$0x3FDB];
	_ =	sdelay $0x1  }
0x9d: {  	s8 =	simm.s32 $_scs_section_size  }
0x9e: {  	s9 =	simm.s32 $_size__tile_overlayer_lowered;
	s10 =	simm.s32 $_tile_overlayer_lowered  }
0x9f: {  	s23 =	simm.s32 $0x1BFF;
	s22 =	sshll.u32 s10, $0x1;
	s7 =	sadd.s32 s8, s20  }
0xa0: {  	s11 =	simm.s32 $0x0;
	s21 =	sshll.u32 s9, $0x1;
	s9 =	sadd.s32 s22, s7  }
0xa1: {  	[timem:s11], [sflag:s23] =	dma.local [hbm:s9], s21  }
0xa2: {  	_ =	swait.ge [sflag:s23], s21  }
0xa3: {  	s8 =	ssub.s32 $0x0, s21;
	[sflag:s23] =	ssyncset.done $0x0  }
0xa4: {  	[sflag:s23] =	ssyncadd.s32 s8;
	_ =	sdelay $0x1  }
0xa5: {  	s24 =	simm.s32 $0x1B8B  }
0xa6: {  	_ =	swait.ge [sflag:s24], $0x1  }
0xa7: {  	[sflag:s24] =	ssyncset.done $0x0  }
0xa8: {  	s25 =	simm.s32 $0x1B8E;
	[sflag:s24] =	ssyncadd.s32 $0xFFFFFFFF  }
0xa9: {  	s26 =	simm.s32 $execute0_lowered;
	[smem:$0x3FD2] =	sst s25  }
0xaa: {  	s8 =	sshll.u32 s26, $0x1;
	_ =	strace $0x80000046;
	[dreg:$0x1] =	wrdreg $0xFFFFFFFF  }
0xab: {  	s28 =	simm.s32 $_size_execute0_lowered;
	s7 =	sadd.s32 s7, s8;
	[dreg:$0x0] =	wrdreg $0x0  }
0xac: {  	s8 =	sshll.u32 s28, $0x1;
	[dreg:$0x2] =	wrdreg s7  }
0xad: {  	[dreg:$0x3] =	wrdreg s8  }
0xae: {  	[dreg:$0x4] =	wrdreg $0xC0  }
0xaf: {  	_ =	task [dreg:s11], $0x5FFFF  }
0xb0: {  	[dreg:$0x1] =	wrdreg $0xFFFFFFFF  }
0xb1: {  	[dreg:$0x0] =	wrdreg $0x60  }
0xb2: {  	[dreg:$0x2] =	wrdreg s4  }
0xb3: {  	[dreg:$0x3] =	wrdreg s5  }
0xb4: {  	[dreg:$0x4] =	wrdreg s2  }
0xb5: {  	[dreg:$0x5] =	wrdreg s19  }
0xb6: {  	[dreg:$0x6] =	wrdreg s6  }
0xb7: {  	[dreg:$0x7] =	wrdreg $0x4000  }
0xb8: {  	[dreg:$0x8] =	wrdreg $0x9  }
0xb9: {  	_ =	task.clear_ibuf [dreg:s11], $0x9FFFF;
	_ =	strace $0x90000046  }
0xba: {  	s29 =	simm.s32 $0x9;
	_ =	strace $0x80000048  }
0xbb: {  	_ =	swait.ge [sflag:s29], $0x1  }
0xbc: {  	[sflag:s29] =	ssyncadd.s32 $0xFFFFFFFF  }
0xbd: {  	_ =	strace $0x90000048  }
0xbe: {  	_ =	sfence  }
0xbf: {  	s30 =	sld [smem:$0x0];
	_ =	sdelay $0x2  }
0xc0: {  	s31 =	sshll.u32 s1, $0xD;
	s1 =	sshrl.u32 s1, $0x2  }
0xc1: {  	s3 =	sand.u32 $0x4000, s31;
	s1 =	sadd.s32 s1, s30  }
0xc2: {  	s0 =	sor.u32 s3, s0;
	s1 =	sshll.u32 s1, $0x11  }
0xc3: {  	s0 =	sor.u32 s1, s0  }
0xc4: {  	s0 =	sadd.s32 $0x8F2B, s0  }
0xc5: {  	[sflag:s0] =	ssyncadd.remote.s32 $0x1  }
0xc6: {  	_ =	sfence.sel $0xFFFF  }
0xc7: {  	[dreg:$0x0] =	wrdreg $0xFFFFFFFF;
	(pc) =	sbr.abs _section_cstart, $3  }
0xc8: {  	[dreg:$0x1] =	wrdreg $0xFFFFFFFF  }
0xc9: {  	_ =	task.clear_ibuf [dreg:s11], $0x2FFFF;
	_ =	strace $0x9FFFFFFF  }
0xca: {  	(tm) =	ssettm $0x7FFFFFFF  }
0xcb: {  	_ =	shalt  }
tec
execute0_lowered:
.L_overlay_start_1:
0x0: {  	(tag) =	ssettag $0x1  }
0x1: {  	s1 =	rddreg [dreg:$0x0]  }
0x2: {  	s0 =	rddreg [dreg:$0x1]  }
0x3: {  	s3 =	rddreg [dreg:$0x2]  }
0x4: {  	s6 =	rddreg [dreg:$0x3]  }
0x5: {  	s9 =	rddreg [dreg:$0x4]  }
0x6: {  	s2 =	rddreg [dreg:$0x5]  }
0x7: {  	s4 =	simm.s32 $0x0;
	s5 =	srdreg.scid;
	s11 =	stileid.u32  }
0x8: {  	s14 =	simm.s32 $0x8;
	s16 =	simm.s32 $0x80;
	s19 =	simm.s32 $0xA340  }
0x9: {  	s29 =	simm.s32 $0x2;
	s31 =	simm.s32 $0x5;
	s18 =	simm.s32 $0x3  }
0xa: {  	s21 =	simm.s32 $0x6;
	s28 =	simm.s32 $0x0;
	[smem:$0x7FF] =	sst s4  }
0xb: {  	s5 =	sand.u32 $0x1, s5;
	s8 =	sshll.u32 s11, $0xA;
	s24 =	sshll.u32 s11, $0x6  }
0xc: {  	s7 =	ssub.s32 $0x2, s5;
	s5 =	sshll.u32 s5, $0x9;
	_ =	strace $0x80000047  }
0xd: {  	s25 =	smin.u32 s24, $0x3A8;
	s24 =	simm.s32 $0x7;
	s10 =	sshrl.u32 s7, $0x1  }
0xe: {  	s8 =	sor.u32 s5, s8;
	s26 =	sshll.u32 s25, $0x4;
	s13 =	ssub.s32 s7, s10  }
0xf: {  	s23 =	sshrl.u32 s8, $0x3;
	s30 =	sshll.u32 s8, $0x4;
	s7 =	sadd.s32 s0, s26  }
0x10: {  	s0 =	simm.s32 $0x200;
	s5 =	sadd.s32 s3, s23;
	s6 =	sadd.s32 s6, s23  }
0x11: {  	s3 =	sshll.u32 s25, $0x7;
	s9 =	sadd.s32 s9, s30;
	s13 =	smax.u32 s13, $0x1  }
0x12: {  	s23 =	simm.s32 $0x1;
	s25 =	simm.s32 $0x4;
	s8 =	sadd.s32 s3, s2  }
0x13: {  	s10 =	sadd.s32 $0x800, s9;
	s11 =	sadd.s32 $0x1000, s9;
	s12 =	sadd.s32 $0x1800, s9  }
.LBB2_1:
0x14: {  	[tilespmem:s4], [sflag:$0x8] =	stream.linear.gather [hbm4b:s5+s4], $0x200, $0x38;
	[tilespmem:$0x1E340] =	vst v63  }
0x15: {  	_ =	swait.ge [sflag:s14], $0x200  }
0x16: {  	[sflag:s14] =	ssyncset.done $0x0  }
0x17: {  	[sflag:s14] =	ssyncadd.s32 $0xFFFFFE00  }
0x18: {  	[tilespmem:s0], [sflag:$0x8] =	stream.linear.gather [hbm4b:s6+s4], $0x200, $0x38;
	[tilespmem:$0x1E340] =	vst v63  }
0x19: {  	_ =	swait.ge [sflag:s14], $0x200  }
0x1a: {  	[sflag:s14] =	ssyncset.done $0x0  }
0x1b: {  	s3 =	simm.s32 $0x2340;
	[sflag:s14] =	ssyncadd.s32 $0xFFFFFE00  }
0x1c: {  	[tilespmem:s3], [sflag:$0x1] =	stream.indirect.gather [hbm4b:s1+s16], $0x80, s4, s16, $0xb8;
	[tilespmem:$0x1E340] =	vst v63  }
0x1d: {  	s30 =	simm.s32 $0x6340  }
0x1e: {  	[tilespmem:s30], [sflag:$0x2] =	stream.indirect.gather [hbm4b:s1+s16], $0x80, s16, s16, $0xb8;
	[tilespmem:$0x1E340] =	vst v63  }
0x1f: {  	_ = 	snop  }
0x20: {  	[tilespmem:s19], [sflag:$0x8] =	stream.linear.gather [hbm4b:s7+s4], $0x2000, $0x38;
	[tilespmem:$0x1E340] =	vst v63  }
0x21: {  	_ =	swait.ge [sflag:s14], $0x2000  }
0x22: {  	[sflag:s14] =	ssyncset.done $0x0  }
0x23: {  	s3 =	simm.s32 $0x0;
	[sflag:s14] =	ssyncadd.s32 $0xFFFFE000  }
0x24: {  	v0 =	vld [tilespmem:s3+$0xA3B0]  }
0x25: {  	v4 =	vld [tilespmem:s3+$0xA390]  }
0x26: {  	v1 =	vld [tilespmem:s3+$0xA380]  }
0x27: {  	v5 =	vld [tilespmem:s3+$0xA370]  }
0x28: {  	v2 =	vld [tilespmem:s3+$0xA360]  }
0x29: {  	v7 =	vld [tilespmem:s3+$0xA340]  }
0x2a: {  	v3 =	vld [tilespmem:s3+$0xA350]  }
0x2b: {  	v6 =	vld [tilespmem:s3+$0xA3A0];
	_ =	sdelay $0x1  }
0x2c: {  	v8 =	vmul.f32 v4, v4;
	v9 =	vmul.f32 v5, v5  }
0x2d: {  	v10 =	vmul.f32 v1, v1;
	v11 =	vmul.f32 v2, v2  }
0x2e: {  	v12 =	vmul.f32 v7, v7;
	v13 =	vmul.f32 v0, v0  }
0x2f: {  	v14 =	vmul.f32 v3, v3;
	v15 =	vmul.f32 v6, v6  }
0x30: {  	v8 =	vadd.f32 v8, v10;
	v9 =	vadd.f32 v9, v11  }
0x31: {  	v10 =	vadd.f32 v14, v12;
	v11 =	vadd.f32 v13, v15;
	_ =	sdelay $0x1  }
0x32: {  	v9 =	vadd.f32 v9, v10;
	v8 =	vadd.f32 v11, v8;
	_ =	sdelay $0x1  }
0x33: {  	v8 =	vadd.f32 v8, v9;
	_ =	sdelay $0x1  }
0x34: {  	(xrf2) =	vadd.scan.msk.f32 $0xffff, v8;
	_ =	sdelay $0x9  }
0x35: {  	v8, _, _ =	vpop (xrf2)  }
0x36: {  	(v2sf) =	vpush v8, $0xF;
	_ =	sdelay $0xe  }
0x37: {  	s15 =	spop (v2sf)  }
0x38: {  	s15 =	smax.f32 s15, $9.999999960e-13  }
0x39: {  	v8 =	vmov s15  }
0x3a: {  	v9 =	vshra.s32 v8, $0x1;
	v10 =	vmul.f32 $5.000000000e-01, v8  }
0x3b: {  	v8 =	vsub.s32 $0x5F3759DF, v9  }
0x3c: {  	v9 =	vmul.f32 v8, v10;
	_ =	sdelay $0x1  }
0x3d: {  	v9 =	vmul.f32 v8, v9;
	_ =	sdelay $0x1  }
0x3e: {  	v9 =	vsub.f32 $1.500000000e+00, v9;
	_ =	sdelay $0x1  }
0x3f: {  	v8 =	vmul.f32 v8, v9;
	_ =	sdelay $0x1  }
0x40: {  	v9 =	vmul.f32 v8, v10;
	_ =	sdelay $0x1  }
0x41: {  	v9 =	vmul.f32 v9, v8;
	_ =	sdelay $0x1  }
0x42: {  	v9 =	vsub.f32 $1.500000000e+00, v9;
	_ =	sdelay $0x1  }
0x43: {  	v8 =	vmul.f32 v9, v8;
	_ =	sdelay $0x1  }
0x44: {  	s15 =	simm.s32 $0x200;
	v9 =	vmul.f32 v8, v10  }
.LBB2_2:
0x45: {  	_ = 	snop  }
0x46: {  	p0 =	sne.s32 s15, $0x7E00;
	s17 =	smov.u32 s15;
	s15 =	sadd.s32 $0x200, s15;
	v9 =	vmul.f32 v9, v8  }
0x47: {  	_ = 	snop  }
0x48: {  	v9 =	vsub.f32 $1.500000000e+00, v9;
	_ =	sdelay $0x1  }
0x49: {  	v8 =	vmul.f32 v9, v8;
	_ =	sdelay $0x1  }
0x4a: {  	v4 =	vmul.f32 v8, v4;
	v0 =	vmul.f32 v8, v0  }
0x4b: {  	s17 =	sshra.s32 s17, $0x2;
	v5 =	vmul.f32 v8, v5;
	v1 =	vmul.f32 v8, v1  }
0x4c: {  	v7 =	vmul.f32 v8, v7;
	v2 =	vmul.f32 v8, v2;
	[tilespmem:s3+$0xA3B0] =	vst v0  }
0x4d: {  	v3 =	vmul.f32 v8, v3;
	v6 =	vmul.f32 v8, v6;
	v0 =	vld [tilespmem:s17+$0xA3B0];
	[tilespmem:s3+$0xA390] =	vst v4  }
0x4e: {  	v4 =	vld [tilespmem:s17+$0xA390];
	[tilespmem:s3+$0xA380] =	vst v1  }
0x4f: {  	v1 =	vld [tilespmem:s17+$0xA380];
	[tilespmem:s3+$0xA370] =	vst v5  }
0x50: {  	v5 =	vld [tilespmem:s17+$0xA370];
	[tilespmem:s3+$0xA360] =	vst v2  }
0x51: {  	v2 =	vld [tilespmem:s17+$0xA360];
	[tilespmem:s3+$0xA340] =	vst v7  }
0x52: {  	v7 =	vld [tilespmem:s17+$0xA340];
	[tilespmem:s3+$0xA350] =	vst v3  }
0x53: {  	v3 =	vld [tilespmem:s17+$0xA350];
	v8 =	vmul.f32 v4, v4;
	[tilespmem:s3+$0xA3A0] =	vst v6;
	s3 =	smov.u32 s17  }
0x54: {  	v6 =	vld [tilespmem:s3+$0xA3A0]  }
0x55: {  	v10 =	vmul.f32 v1, v1;
	v9 =	vmul.f32 v5, v5  }
0x56: {  	v11 =	vmul.f32 v2, v2  }
0x57: {  	v8 =	vadd.f32 v8, v10;
	v12 =	vmul.f32 v7, v7  }
0x58: {  	v10 =	vmul.f32 v0, v0;
	v9 =	vadd.f32 v9, v11  }
0x59: {  	v11 =	vmul.f32 v3, v3;
	v13 =	vmul.f32 v6, v6;
	_ =	sdelay $0x1  }
0x5a: {  	v11 =	vadd.f32 v11, v12;
	v10 =	vadd.f32 v10, v13;
	_ =	sdelay $0x1  }
0x5b: {  	v9 =	vadd.f32 v9, v11;
	v8 =	vadd.f32 v10, v8;
	_ =	sdelay $0x1  }
0x5c: {  	v8 =	vadd.f32 v8, v9;
	_ =	sdelay $0x1  }
0x5d: {  	(xrf2) =	vadd.scan.msk.f32 $0xffff, v8;
	_ =	sdelay $0x9  }
0x5e: {  	v8, _, _ =	vpop (xrf2)  }
0x5f: {  	(v2sf) =	vpush v8, $0xF;
	_ =	sdelay $0xe  }
0x60: {  	s17 =	spop (v2sf)  }
0x61: {  	s17 =	smax.f32 s17, $9.999999960e-13  }
0x62: {  	v8 =	vmov s17  }
0x63: {  	v9 =	vshra.s32 v8, $0x1;
	v10 =	vmul.f32 $5.000000000e-01, v8  }
0x64: {  	v8 =	vsub.s32 $0x5F3759DF, v9  }
0x65: {  	v9 =	vmul.f32 v8, v10;
	_ =	sdelay $0x1  }
0x66: {  	v9 =	vmul.f32 v8, v9;
	_ =	sdelay $0x1  }
0x67: {  	v9 =	vsub.f32 $1.500000000e+00, v9;
	_ =	sdelay $0x1  }
0x68: {  	v8 =	vmul.f32 v8, v9;
	_ =	sdelay $0x1  }
0x69: {  	v9 =	vmul.f32 v8, v10;
	_ =	sdelay $0x1  }
0x6a: {  	v9 =	vmul.f32 v9, v8;
	_ =	sdelay $0x1  }
.Ltmp0:
0x6b: {  	v9 =	vsub.f32 $1.500000000e+00, v9;
	(pc) =	sbr.rel @p0 .LBB2_2-.Ltmp0, $3  }
0x6c: {  	_ = 	snop  }
0x6d: {  	v8 =	vmul.f32 v9, v8;
	_ =	sdelay $0x1  }
0x6e: {  	v9 =	vmul.f32 v8, v10  }
0x6f: {  	_ = 	snop  }
0x70: {  	v9 =	vmul.f32 v9, v8;
	_ =	sdelay $0x1  }
0x71: {  	v9 =	vsub.f32 $1.500000000e+00, v9;
	_ =	sdelay $0x1  }
0x72: {  	v8 =	vmul.f32 v9, v8;
	_ =	sdelay $0x1  }
0x73: {  	v0 =	vmul.f32 v8, v0  }
0x74: {  	v4 =	vmul.f32 v8, v4  }
0x75: {  	v1 =	vmul.f32 v8, v1;
	[tilespmem:s3+$0xA3B0] =	vst v0  }
0x76: {  	v2 =	vmul.f32 v8, v2;
	[tilespmem:s3+$0xA390] =	vst v4  }
0x77: {  	v0 =	vmul.f32 v8, v5;
	[tilespmem:s3+$0xA380] =	vst v1  }
0x78: {  	v1 =	vmul.f32 v8, v7;
	[tilespmem:s3+$0xA360] =	vst v2  }
0x79: {  	v2 =	vmul.f32 v8, v6;
	[tilespmem:s3+$0xA370] =	vst v0  }
0x7a: {  	v0 =	vmul.f32 v8, v3;
	[tilespmem:s3+$0xA340] =	vst v1  }
0x7b: {  	[tilespmem:s3+$0xA3A0] =	vst v2  }
0x7c: {  	[tilespmem:s3+$0xA350] =	vst v0  }
0x7d: {  	[spmem:s8] =	stream.linear.scatter [tilespmem:s19], [sflag:$0x8], $0x2000, $0x38;
	[tilespmem:$0x1E340] =	vst v63  }
0x7e: {  	_ =	swait.ge [sflag:s14], $0x2000  }
0x7f: {  	[sflag:s14] =	ssyncset.done $0x0  }
0x80: {  	[sflag:s14] =	ssyncadd.s32 $0xFFFFE000  }
0x81: {  	s15 =	simm.s32 $0xE340;
	[bflag:$0x0] =	sbarrier.arrive $0xFFFF  }
0x82: {  	[tilespmem:s15], [sflag:$0x4] =	stream.indirect.gather [spmem:s2], $0x80, s0, s16, $0xb8;
	[tilespmem:$0x1E340] =	vst v63  }
0x83: {  	s17 =	simm.s32 $0x280;
	s20 =	simm.s32 $0x12340  }
0x84: {  	[tilespmem:s20], [sflag:$0x5] =	stream.indirect.gather [spmem:s2], $0x80, s17, s16, $0xb8;
	[tilespmem:$0x1E340] =	vst v63  }
0x85: {  	_ =	swait.ge [sflag:s23], $0x4000  }
0x86: {  	[sflag:s23] =	ssyncset.done $0x0  }
0x87: {  	s22 =	simm.s32 $0x100;
	[sflag:s23] =	ssyncadd.s32 $0xFFFFC000  }
0x88: {  	[tilespmem:s19], [sflag:$0x3] =	stream.indirect.gather [hbm4b:s1+s16], $0x80, s22, s16, $0xb8;
	[tilespmem:$0x1E340] =	vst v63  }
0x89: {  	_ =	swait.ge [sflag:s25], $0x4000  }
0x8a: {  	[sflag:s25] =	ssyncset.done $0x0  }
0x8b: {  	s20 =	simm.s32 $0x0;
	[sflag:s25] =	ssyncadd.s32 $0xFFFFC000  }
0x8c: {  	v33 =	vld [tilespmem:s20+$0x23B0]  }
0x8d: {  	v35 =	vld [tilespmem:s20+$0x2390]  }
0x8e: {  	v36 =	vld [tilespmem:s20+$0x2350]  }
0x8f: {  	v37 =	vld [tilespmem:s20+$0x23A0]  }
0x90: {  	v31 =	vld [tilespmem:s20+$0x2380]  }
0x91: {  	v30 =	vld [tilespmem:s20+$0x2340]  }
0x92: {  	v34 =	vld [tilespmem:s20+$0x2370]  }
0x93: {  	v32 =	vld [tilespmem:s20+$0x2360];
	_ =	sdelay $0x1  }
0x94: {  	v0 =	vmul.f32 v33, v33;
	v1 =	vmul.f32 v35, v35  }
0x95: {  	v2 =	vmul.f32 v36, v36;
	v3 =	vmul.f32 v31, v31  }
0x96: {  	v4 =	vmul.f32 v37, v37;
	v5 =	vmul.f32 v30, v30  }
0x97: {  	v6 =	vmul.f32 v34, v34;
	v7 =	vmul.f32 v32, v32  }
0x98: {  	v1 =	vadd.f32 v1, v3;
	v0 =	vadd.f32 v0, v4  }
0x99: {  	v2 =	vadd.f32 v2, v5;
	v3 =	vadd.f32 v6, v7  }
0x9a: {  	s17 =	simm.s32 $0x80  }
0x9b: {  	v26 =	vld [tilespmem:s17+$0x23B0];
	v0 =	vadd.f32 v0, v1;
	v1 =	vadd.f32 v3, v2  }
0x9c: {  	v29 =	vld [tilespmem:s17+$0x2390]  }
0x9d: {  	v20 =	vld [tilespmem:s17+$0x23A0];
	v0 =	vadd.f32 v0, v1  }
0x9e: {  	v23 =	vld [tilespmem:s17+$0x2380]  }
0x9f: {  	v17 =	vld [tilespmem:s17+$0x2340];
	(xrf2) =	vadd.scan.msk.f32 $0xffff, v0  }
0xa0: {  	v27 =	vld [tilespmem:s17+$0x2370]  }
0xa1: {  	v19 =	vld [tilespmem:s17+$0x2350]  }
0xa2: {  	v24 =	vld [tilespmem:s17+$0x2360];
	_ =	sdelay $0x1  }
0xa3: {  	v4 =	vmul.f32 v20, v20;
	v5 =	vmul.f32 v17, v17  }
0xa4: {  	v6 =	vmul.f32 v27, v27;
	v3 =	vmul.f32 v23, v23  }
0xa5: {  	v2 =	vmul.f32 v19, v19;
	v1 =	vmul.f32 v29, v29  }
0xa6: {  	v7 =	vmul.f32 v24, v24;
	v0 =	vmul.f32 v26, v26  }
0xa7: {  	v2 =	vadd.f32 v2, v5;
	v1 =	vadd.f32 v1, v3  }
0xa8: {  	v0 =	vadd.f32 v0, v4;
	v4 =	vadd.f32 v6, v7;
	v3, _, _ =	vpop (xrf2)  }
0xa9: {  	(v2sf) =	vpush v3, $0xF  }
0xaa: {  	v0 =	vadd.f32 v0, v1;
	v1 =	vadd.f32 v4, v2  }
0xab: {  	s15 =	simm.s32 $0x100  }
0xac: {  	v15 =	vld [tilespmem:s15+$0x23B0];
	v0 =	vadd.f32 v0, v1  }
0xad: {  	v21 =	vld [tilespmem:s15+$0x2390]  }
0xae: {  	v11 =	vld [tilespmem:s15+$0x2350];
	(xrf2) =	vadd.scan.msk.f32 $0xffff, v0  }
0xaf: {  	v10 =	vld [tilespmem:s15+$0x23A0]  }
0xb0: {  	v14 =	vld [tilespmem:s15+$0x2360]  }
0xb1: {  	v13 =	vld [tilespmem:s15+$0x2380]  }
0xb2: {  	v7 =	vld [tilespmem:s15+$0x2340]  }
0xb3: {  	v22 =	vld [tilespmem:s15+$0x2370]  }
0xb4: {  	v4 =	vmul.f32 v10, v10  }
0xb5: {  	v6 =	vmul.f32 v14, v14;
	v1 =	vmul.f32 v21, v21  }
0xb6: {  	v0 =	vmul.f32 v15, v15;
	v3 =	vmul.f32 v13, v13  }
0xb7: {  	v2 =	vmul.f32 v11, v11;
	v5 =	vmul.f32 v7, v7  }
0xb8: {  	v0 =	vadd.f32 v0, v4;
	v1 =	vadd.f32 v1, v3;
	v3 =	vmul.f32 v22, v22;
	v4, _, _ =	vpop (xrf2);
	s26 =	spop (v2sf)  }
0xb9: {  	v2 =	vadd.f32 v2, v5;
	(v2sf) =	vpush v4, $0xF;
	s3 =	smax.f32 s26, $9.999999960e-13  }
0xba: {  	v3 =	vadd.f32 v3, v6;
	v0 =	vadd.f32 v0, v1;
	v1 =	vmov s3  }
0xbb: {  	s3 =	simm.s32 $0x180;
	v4 =	vshra.s32 v1, $0x1;
	v5 =	vmul.f32 $5.000000000e-01, v1  }
0xbc: {  	v1 =	vadd.f32 v3, v2;
	v8 =	vld [tilespmem:s3+$0x23B0];
	v3 =	vsub.s32 $0x5F3759DF, v4  }
0xbd: {  	v12 =	vld [tilespmem:s3+$0x2390];
	v2 =	vmul.f32 v3, v5  }
0xbe: {  	v6 =	vld [tilespmem:s3+$0x2380];
	v0 =	vadd.f32 v0, v1  }
0xbf: {  	v1 =	vld [tilespmem:s3+$0x23A0];
	v9 =	vmul.f32 v3, v2  }
0xc0: {  	v18 =	vld [tilespmem:s3+$0x2370];
	(xrf2) =	vadd.scan.msk.f32 $0xffff, v0  }
0xc1: {  	v25 =	vld [tilespmem:s3+$0x2360];
	v0 =	vsub.f32 $1.500000000e+00, v9  }
0xc2: {  	v4 =	vld [tilespmem:s3+$0x2340];
	v16 =	vmul.f32 v8, v8  }
0xc3: {  	v2 =	vld [tilespmem:s3+$0x2350];
	v28 =	vmul.f32 v12, v12;
	v38 =	vmul.f32 v3, v0  }
0xc4: {  	s30 =	simm.s32 $0x200;
	v0 =	vmul.f32 v6, v6;
	v3 =	vmul.f32 v1, v1  }
0xc5: {  	v9 =	vld [tilespmem:s30+$0x23B0];
	v39 =	vmul.f32 v38, v5  }
0xc6: {  	v41 =	vmul.f32 v18, v18;
	v28 =	vadd.f32 v28, v0;
	v3 =	vadd.f32 v16, v3  }
0xc7: {  	v43 =	vmul.f32 v25, v25;
	v5 =	vld [tilespmem:s30+$0x2390];
	v39 =	vmul.f32 v39, v38  }
0xc8: {  	v40 =	vmul.f32 v2, v2;
	v0 =	vld [tilespmem:s30+$0x2350];
	v46 =	vadd.f32 v3, v28;
	s22 =	spop (v2sf);
	v3 =	vmul.f32 v4, v4  }
0xc9: {  	v49 =	vadd.f32 v41, v43;
	v16 =	vld [tilespmem:s30+$0x23A0];
	s22 =	smax.f32 s22, $9.999999960e-13;
	v42 =	vsub.f32 $1.500000000e+00, v39  }
0xca: {  	v28 =	vld [tilespmem:s30+$0x2380];
	v39 =	vmul.f32 v9, v9;
	v44, _, _ =	vpop (xrf2);
	v45 =	vmov s22;
	v48 =	vadd.f32 v40, v3  }
0xcb: {  	v3 =	vld [tilespmem:s30+$0x2340];
	(v2sf) =	vpush v44, $0xF;
	v63 =	vshra.s32 v45, $0x1;
	v41 =	vmul.f32 $5.000000000e-01, v45  }
0xcc: {  	v40 =	vld [tilespmem:s20+$0xE3A0];
	v43 =	vmul.f32 v5, v5;
	v47 =	vsub.s32 $0x5F3759DF, v63;
	v44 =	vmul.f32 v42, v38  }
0xcd: {  	s22 =	simm.s32 $0xA00;
	v45 =	vld [tilespmem:s20+$0xE360];
	v38 =	vmul.f32 v0, v0;
	v49 =	vadd.f32 v49, v48;
	v48 =	vmul.f32 v47, v41  }
.LBB2_4:
0xce: {  	v42 =	vmovc v20;
	v20 =	vmovc v10;
	v10 =	vmov v1;
	v1 =	vmov v16;
	v51 =	vmov v31  }
0xcf: {  	p0 =	sne.s32 s22, $0xFE00;
	v50 =	vld [tilespmem:s20+$0xE380];
	v31 =	vmovc v23;
	v23 =	vmovc v13;
	v13 =	vmov v6;
	v6 =	vmov v28;
	v52 =	vmov v30;
	s26 =	smov.u32 s22;
	s22 =	sadd.s32 $0x200, s22  }
0xd0: {  	v30 =	vmovc v17;
	v17 =	vmovc v7;
	v7 =	vmov v4;
	v46 =	vadd.f32 v46, v49;
	v48 =	vmul.f32 v47, v48;
	v49 =	vld [tilespmem:s20+$0xE3B0]  }
0xd1: {  	v53 =	vmul.f32 v44, v32;
	v32 =	vmovc v24;
	v24 =	vmovc v14;
	v14 =	vmov v25;
	v4 =	vmov v3;
	v54 =	vld [tilespmem:s20+$0xE390]  }
0xd2: {  	v25 =	vmul.f32 v28, v6;
	(xrf2) =	vadd.scan.msk.f32 $0xffff, v46;
	v28 =	vsub.f32 $1.500000000e+00, v48;
	v46 =	vld [tilespmem:s20+$0xE370];
	v48 =	vmul.f32 v44, v33;
	v33 =	vmovc v26  }
0xd3: {  	v56 =	vmul.f32 v44, v35;
	v37 =	vmul.f32 v44, v37;
	v26 =	vmovc v15;
	v15 =	vmovc v8;
	v8 =	vmov v9;
	v55 =	vld [tilespmem:s20+$0xE350]  }
0xd4: {  	v35 =	vmovc v29;
	v51 =	vmul.f32 v44, v51;
	v9 =	vmul.f32 v16, v1;
	v43 =	vadd.f32 v43, v25;
	v16 =	vld [tilespmem:s20+$0xE340]  }
0xd5: {  	v58 =	vmul.f32 v47, v28;
	v28 =	vmul.f32 v44, v34;
	v34 =	vmovc v27;
	v57 =	vld [tilespmem:s30+$0x2370];
	v59 =	vadd.f32 v48, v49  }
0xd6: {  	v36 =	vmul.f32 v44, v36;
	s26 =	sshra.s32 s26, $0x2;
	v39 =	vadd.f32 v39, v9;
	v27 =	vmovc v22;
	v25 =	vld [tilespmem:s30+$0x2360];
	v47 =	vadd.f32 v56, v54  }
0xd7: {  	v44 =	vmul.f32 v44, v52;
	v41 =	vmul.f32 v58, v41;
	v9 =	vld [tilespmem:s26+$0x23B0];
	v28 =	vadd.f32 v28, v46;
	[tilespmem:s20+$0x163B0] =	vst v59  }
0xd8: {  	v29 =	vmovc v21;
	v22 =	vmov v18;
	v49 =	vadd.f32 v51, v50;
	v48 =	vld [tilespmem:s26+$0x2390];
	v36 =	vadd.f32 v36, v55;
	[tilespmem:s20+$0x16390] =	vst v47  }
0xd9: {  	v45 =	vadd.f32 v53, v45;
	v41 =	vmul.f32 v41, v58;
	v50 =	vld [tilespmem:s26+$0x2350];
	v44 =	vadd.f32 v44, v16;
	[tilespmem:s20+$0x16370] =	vst v28  }
0xda: {  	v21 =	vmovc v12;
	v37 =	vadd.f32 v37, v40;
	v46 =	vadd.f32 v39, v43;
	v16 =	vld [tilespmem:s26+$0x23A0];
	s0 =	spop (v2sf);
	[tilespmem:s20+$0x16380] =	vst v49;
	v18 =	vmov v57  }
0xdb: {  	v12 =	vmovc v5;
	v40 =	vmul.f32 v3, v4;
	v49 =	vsub.f32 $1.500000000e+00, v41;
	v28 =	vld [tilespmem:s26+$0x2380];
	v47 =	vmul.f32 v57, v18;
	s0 =	smax.f32 s0, $9.999999960e-13;
	[tilespmem:s20+$0x16360] =	vst v45  }
.Ltmp1:
0xdc: {  	v41 =	vmul.f32 v25, v25;
	v3 =	vld [tilespmem:s26+$0x2340];
	v39 =	vmul.f32 v9, v9;
	v5, _, _ =	vpop (xrf2);
	v45 =	vmov s0;
	[tilespmem:s20+$0x163A0] =	vst v37;
	(pc) =	sbr.rel @p0 .LBB2_4-.Ltmp1, $4  }
0xdd: {  	v51 =	vadd.f32 v38, v40;
	(v2sf) =	vpush v5, $0xF;
	v38 =	vshra.s32 v45, $0x1;
	[tilespmem:s20+$0x16350] =	vst v36;
	v5 =	vmovc v48;
	v36 =	vmovc v19  }
0xde: {  	v19 =	vmovc v11;
	v43 =	vmul.f32 v48, v5;
	v48 =	vadd.f32 v47, v41;
	v41 =	vmul.f32 $5.000000000e-01, v45;
	[tilespmem:s20+$0x16340] =	vst v44;
	s20 =	smov.u32 s17;
	s17 =	smov.u32 s15;
	s15 =	smov.u32 s3  }
0xdf: {  	v11 =	vmovc v2;
	v2 =	vmovc v0;
	v47 =	vsub.s32 $0x5F3759DF, v38;
	v44 =	vmul.f32 v49, v58;
	v0 =	vmov v50;
	s3 =	smov.u32 s30;
	s30 =	smov.u32 s26;
	v40 =	vld [tilespmem:s20+$0xE3A0]  }
0xe0: {  	v37 =	vmovc v42;
	v38 =	vmul.f32 v50, v0;
	v49 =	vadd.f32 v48, v51;
	v48 =	vmul.f32 v47, v41;
	v45 =	vld [tilespmem:s20+$0xE360]  }
0xe1: {  	v50 =	vld [tilespmem:s20+$0xE3B0]  }
0xe2: {  	v51 =	vld [tilespmem:s20+$0xE390]  }
0xe3: {  	v60 =	vld [tilespmem:s20+$0xE370];
	v46 =	vadd.f32 v46, v49  }
0xe4: {  	v52 =	vmul.f32 v44, v33;
	v53 =	vld [tilespmem:s20+$0xE350];
	v35 =	vmul.f32 v44, v35  }
0xe5: {  	v33 =	vld [tilespmem:s30+$0x2370];
	v62 =	vmul.f32 v44, v31;
	v37 =	vmul.f32 v44, v37;
	(xrf2) =	vadd.scan.msk.f32 $0xffff, v46  }
0xe6: {  	v31 =	vld [tilespmem:s30+$0x2360];
	v32 =	vmul.f32 v44, v32;
	v48 =	vmul.f32 v47, v48  }
0xe7: {  	v42 =	vld [tilespmem:s20+$0xE380];
	v34 =	vmul.f32 v44, v34;
	v63 =	vmul.f32 v28, v28;
	v37 =	vadd.f32 v37, v40  }
0xe8: {  	v36 =	vmul.f32 v44, v36;
	v48 =	vsub.f32 $1.500000000e+00, v48;
	v32 =	vadd.f32 v32, v45  }
0xe9: {  	v61 =	vld [tilespmem:s20+$0xE340];
	v30 =	vmul.f32 v44, v30;
	v50 =	vadd.f32 v52, v50;
	v35 =	vadd.f32 v35, v51;
	[tilespmem:s20+$0x163A0] =	vst v37  }
0xea: {  	v34 =	vadd.f32 v34, v60;
	v48 =	vmul.f32 v47, v48;
	v52 =	vmul.f32 v3, v3;
	[tilespmem:s20+$0x16360] =	vst v32  }
0xeb: {  	v36 =	vadd.f32 v36, v53;
	v53 =	vmul.f32 v33, v33;
	v54 =	vmul.f32 v31, v31;
	[tilespmem:s20+$0x163B0] =	vst v50  }
0xec: {  	v55 =	vadd.f32 v43, v63;
	v42 =	vadd.f32 v62, v42;
	[tilespmem:s20+$0x16390] =	vst v35;
	v50 =	vmul.f32 v16, v16  }
0xed: {  	[tilespmem:s20+$0x16370] =	vst v34;
	v51 =	vmul.f32 v48, v41;
	v38 =	vadd.f32 v38, v52;
	v32 =	vadd.f32 v53, v54  }
0xee: {  	v30 =	vadd.f32 v30, v61;
	[tilespmem:s20+$0x16380] =	vst v42;
	v34 =	vadd.f32 v39, v50  }
0xef: {  	[tilespmem:s20+$0x16350] =	vst v36;
	v56 =	vmul.f32 v51, v48;
	v32 =	vadd.f32 v32, v38;
	v57, _, _ =	vpop (xrf2)  }
0xf0: {  	[tilespmem:s20+$0x16340] =	vst v30;
	s0 =	spop (v2sf);
	v34 =	vadd.f32 v34, v55;
	(v2sf) =	vpush v57, $0xF  }
0xf1: {  	v60 =	vld [tilespmem:s17+$0xE3B0];
	v30 =	vsub.f32 $1.500000000e+00, v56;
	s0 =	smax.f32 s0, $9.999999960e-13  }
0xf2: {  	v62 =	vld [tilespmem:s17+$0xE390];
	v59 =	vmov s0;
	v32 =	vadd.f32 v34, v32  }
0xf3: {  	v63 =	vld [tilespmem:s17+$0xE370];
	v30 =	vmul.f32 v30, v48;
	v61 =	vshra.s32 v59, $0x1;
	v37 =	vmul.f32 $5.000000000e-01, v59  }
0xf4: {  	v46 =	vld [tilespmem:s17+$0xE380];
	v39 =	vsub.s32 $0x5F3759DF, v61;
	(xrf2) =	vadd.scan.msk.f32 $0xffff, v32  }
0xf5: {  	v49 =	vld [tilespmem:s17+$0xE350];
	v26 =	vmul.f32 v30, v26;
	v45 =	vmul.f32 v39, v37  }
0xf6: {  	v47 =	vld [tilespmem:s17+$0xE360];
	v29 =	vmul.f32 v30, v29  }
0xf7: {  	v27 =	vmul.f32 v30, v27;
	v26 =	vadd.f32 v26, v60;
	v48 =	vmul.f32 v39, v45  }
0xf8: {  	v58 =	vld [tilespmem:s17+$0xE3A0];
	v23 =	vmul.f32 v30, v23;
	v19 =	vmul.f32 v30, v19;
	v29 =	vadd.f32 v29, v62  }
0xf9: {  	v50 =	vld [tilespmem:s17+$0xE340];
	v24 =	vmul.f32 v30, v24;
	v27 =	vadd.f32 v27, v63;
	[tilespmem:s17+$0x163B0] =	vst v26;
	v32 =	vsub.f32 $1.500000000e+00, v48  }
0xfa: {  	v23 =	vadd.f32 v23, v46;
	v19 =	vadd.f32 v19, v49;
	[tilespmem:s17+$0x16390] =	vst v29  }
0xfb: {  	v20 =	vmul.f32 v30, v20;
	v24 =	vadd.f32 v24, v47;
	[tilespmem:s17+$0x16370] =	vst v27;
	v26 =	vmul.f32 v39, v32  }
0xfc: {  	v17 =	vmul.f32 v30, v17;
	[tilespmem:s17+$0x16380] =	vst v23  }
0xfd: {  	v20 =	vadd.f32 v20, v58;
	[tilespmem:s17+$0x16360] =	vst v24;
	v23 =	vmul.f32 v26, v37  }
0xfe: {  	v17 =	vadd.f32 v17, v50;
	[tilespmem:s17+$0x16350] =	vst v19;
	v19, _, _ =	vpop (xrf2)  }
0xff: {  	[tilespmem:s17+$0x163A0] =	vst v20;
	v20 =	vmul.f32 v23, v26;
	s26 =	spop (v2sf);
	(v2sf) =	vpush v19, $0xF  }
0x100: {  	[tilespmem:s17+$0x16340] =	vst v17;
	s0 =	smax.f32 s26, $9.999999960e-13  }
0x101: {  	v27 =	vld [tilespmem:s15+$0xE370];
	v17 =	vsub.f32 $1.500000000e+00, v20;
	v20 =	vmov s0  }
0x102: {  	v23 =	vld [tilespmem:s15+$0xE3B0];
	v24 =	vshra.s32 v20, $0x1;
	v20 =	vmul.f32 $5.000000000e-01, v20  }
0x103: {  	v17 =	vmul.f32 v17, v26;
	v26 =	vld [tilespmem:s15+$0xE390];
	v24 =	vsub.s32 $0x5F3759DF, v24  }
0x104: {  	v30 =	vld [tilespmem:s15+$0xE380];
	v29 =	vmul.f32 v24, v20  }
0x105: {  	v51 =	vld [tilespmem:s15+$0xE360];
	v15 =	vmul.f32 v17, v15;
	v22 =	vmul.f32 v17, v22  }
0x106: {  	v19 =	vld [tilespmem:s15+$0xE3A0];
	v21 =	vmul.f32 v17, v21;
	v29 =	vmul.f32 v24, v29  }
0x107: {  	v52 =	vld [tilespmem:s15+$0xE350];
	v13 =	vmul.f32 v17, v13;
	v15 =	vadd.f32 v15, v23;
	v22 =	vadd.f32 v22, v27  }
0x108: {  	v14 =	vmul.f32 v17, v14;
	v21 =	vadd.f32 v21, v26;
	v26 =	vsub.f32 $1.500000000e+00, v29  }
0x109: {  	v10 =	vmul.f32 v17, v10;
	v23 =	vld [tilespmem:s15+$0xE340];
	v13 =	vadd.f32 v13, v30;
	[tilespmem:s15+$0x163B0] =	vst v15  }
0x10a: {  	v11 =	vmul.f32 v17, v11;
	v14 =	vadd.f32 v14, v51;
	[tilespmem:s15+$0x16370] =	vst v22;
	v15 =	vmul.f32 v24, v26  }
0x10b: {  	v10 =	vadd.f32 v10, v19;
	[tilespmem:s15+$0x16380] =	vst v13  }
0x10c: {  	v7 =	vmul.f32 v17, v7;
	v11 =	vadd.f32 v11, v52;
	[tilespmem:s15+$0x16360] =	vst v14;
	v13 =	vmul.f32 v15, v20  }
0x10d: {  	[tilespmem:s15+$0x163A0] =	vst v10  }
0x10e: {  	[tilespmem:s15+$0x16350] =	vst v11;
	v7 =	vadd.f32 v7, v23;
	v10 =	vmul.f32 v13, v15;
	s20 =	spop (v2sf)  }
0x10f: {  	[tilespmem:s15+$0x16390] =	vst v21;
	s0 =	smax.f32 s20, $9.999999960e-13  }
0x110: {  	[tilespmem:s15+$0x16340] =	vst v7;
	v7 =	vsub.f32 $1.500000000e+00, v10;
	v11 =	vmov s0  }
0x111: {  	v13 =	vld [tilespmem:s3+$0xE3B0];
	v14 =	vshra.s32 v11, $0x1;
	v11 =	vmul.f32 $5.000000000e-01, v11  }
0x112: {  	v17 =	vld [tilespmem:s3+$0xE370];
	v7 =	vmul.f32 v7, v15;
	v14 =	vsub.s32 $0x5F3759DF, v14  }
0x113: {  	v20 =	vld [tilespmem:s3+$0xE380];
	v19 =	vmul.f32 v14, v11  }
0x114: {  	v10 =	vld [tilespmem:s3+$0xE3A0];
	v8 =	vmul.f32 v7, v8  }
0x115: {  	v15 =	vld [tilespmem:s3+$0xE390];
	v18 =	vmul.f32 v7, v18;
	v19 =	vmul.f32 v14, v19  }
0x116: {  	v22 =	vld [tilespmem:s3+$0xE350];
	v6 =	vmul.f32 v7, v6;
	v8 =	vadd.f32 v8, v13  }
0x117: {  	v21 =	vld [tilespmem:s3+$0xE360];
	v1 =	vmul.f32 v7, v1;
	v17 =	vadd.f32 v18, v17;
	v19 =	vsub.f32 $1.500000000e+00, v19  }
0x118: {  	v12 =	vmul.f32 v7, v12;
	v13 =	vld [tilespmem:s3+$0xE340];
	v6 =	vadd.f32 v6, v20;
	[tilespmem:s3+$0x163B0] =	vst v8  }
0x119: {  	v2 =	vmul.f32 v7, v2;
	v1 =	vadd.f32 v1, v10;
	[tilespmem:s3+$0x16370] =	vst v17;
	v8 =	vmul.f32 v14, v19  }
0x11a: {  	v12 =	vadd.f32 v12, v15;
	v15 =	vmul.f32 v7, v25;
	[tilespmem:s3+$0x16380] =	vst v6  }
0x11b: {  	v4 =	vmul.f32 v7, v4;
	v2 =	vadd.f32 v2, v22;
	[tilespmem:s3+$0x163A0] =	vst v1;
	v6 =	vmul.f32 v8, v11  }
0x11c: {  	[tilespmem:s3+$0x16390] =	vst v12;
	v12 =	vadd.f32 v15, v21  }
0x11d: {  	[tilespmem:s3+$0x16350] =	vst v2;
	v4 =	vadd.f32 v4, v13;
	v1 =	vmul.f32 v6, v8  }
0x11e: {  	[tilespmem:s3+$0x16360] =	vst v12  }
0x11f: {  	[tilespmem:s3+$0x16340] =	vst v4;
	v1 =	vsub.f32 $1.500000000e+00, v1  }
0x120: {  	v4 =	vld [tilespmem:s30+$0xE3B0]  }
0x121: {  	v6 =	vld [tilespmem:s30+$0xE390];
	v1 =	vmul.f32 v1, v8  }
0x122: {  	v7 =	vld [tilespmem:s30+$0xE370]  }
0x123: {  	v11 =	vld [tilespmem:s30+$0xE350];
	v9 =	vmul.f32 v1, v9  }
0x124: {  	v8 =	vld [tilespmem:s30+$0xE380];
	v5 =	vmul.f32 v1, v5  }
0x125: {  	v10 =	vld [tilespmem:s30+$0xE360];
	v12 =	vmul.f32 v1, v33;
	v4 =	vadd.f32 v9, v4  }
0x126: {  	v2 =	vld [tilespmem:s30+$0xE3A0];
	v0 =	vmul.f32 v1, v0;
	v5 =	vadd.f32 v5, v6  }
0x127: {  	v13 =	vmul.f32 v1, v28;
	v9 =	vld [tilespmem:s30+$0xE340];
	v7 =	vadd.f32 v12, v7;
	[tilespmem:s30+$0x163B0] =	vst v4  }
0x128: {  	v6 =	vmul.f32 v1, v31;
	v0 =	vadd.f32 v0, v11;
	[tilespmem:s30+$0x16390] =	vst v5  }
0x129: {  	v8 =	vadd.f32 v13, v8;
	v4 =	vmul.f32 v1, v16;
	[tilespmem:s30+$0x16370] =	vst v7  }
0x12a: {  	v5 =	vadd.f32 v6, v10;
	v1 =	vmul.f32 v1, v3;
	[tilespmem:s30+$0x16350] =	vst v0  }
0x12b: {  	[tilespmem:s30+$0x16380] =	vst v8;
	v2 =	vadd.f32 v4, v2  }
0x12c: {  	[tilespmem:s30+$0x16360] =	vst v5;
	v1 =	vadd.f32 v1, v9  }
0x12d: {  	[tilespmem:s30+$0x163A0] =	vst v2  }
0x12e: {  	s22 =	simm.s32 $0x0;
	s26 =	simm.s32 $0x16340;
	[tilespmem:s30+$0x16340] =	vst v1  }
0x12f: {  	[hbm4b:s9+s22] =	stream.linear.scatter [tilespmem:s26], [sflag:$0x6], $0x4000, $0x38;
	[tilespmem:$0x1E340] =	vst v63  }
0x130: {  	s15 =	simm.s32 $0x300;
	s3 =	simm.s32 $0xE340  }
0x131: {  	[tilespmem:s3], [sflag:$0x4] =	stream.indirect.gather [spmem:s2], $0x80, s15, s16, $0xb8;
	[tilespmem:$0x1E340] =	vst v63  }
0x132: {  	_ =	swait.ge [sflag:s29], $0x4000  }
0x133: {  	[sflag:s29] =	ssyncset.done $0x0  }
0x134: {  	s17 =	simm.s32 $0x2340;
	s20 =	simm.s32 $0x180;
	[sflag:s29] =	ssyncadd.s32 $0xFFFFC000  }
0x135: {  	[tilespmem:s17], [sflag:$0x1] =	stream.indirect.gather [hbm4b:s1+s16], $0x80, s20, s16, $0xb8;
	[tilespmem:$0x1E340] =	vst v63  }
0x136: {  	_ =	swait.ge [sflag:s31], $0x4000  }
0x137: {  	[sflag:s31] =	ssyncset.done $0x0  }
0x138: {  	s20 =	simm.s32 $0x0;
	[sflag:s31] =	ssyncadd.s32 $0xFFFFC000  }
0x139: {  	v33 =	vld [tilespmem:s20+$0x63B0]  }
0x13a: {  	v35 =	vld [tilespmem:s20+$0x6390]  }
0x13b: {  	v36 =	vld [tilespmem:s20+$0x6350]  }
0x13c: {  	v37 =	vld [tilespmem:s20+$0x63A0]  }
0x13d: {  	v31 =	vld [tilespmem:s20+$0x6380]  }
0x13e: {  	v30 =	vld [tilespmem:s20+$0x6340]  }
0x13f: {  	v34 =	vld [tilespmem:s20+$0x6370]  }
0x140: {  	v32 =	vld [tilespmem:s20+$0x6360];
	_ =	sdelay $0x1  }
0x141: {  	v0 =	vmul.f32 v33, v33;
	v1 =	vmul.f32 v35, v35  }
0x142: {  	v2 =	vmul.f32 v36, v36;
	v3 =	vmul.f32 v31, v31  }
0x143: {  	v4 =	vmul.f32 v37, v37;
	v5 =	vmul.f32 v30, v30  }
0x144: {  	v6 =	vmul.f32 v34, v34;
	v7 =	vmul.f32 v32, v32  }
0x145: {  	v1 =	vadd.f32 v1, v3;
	v0 =	vadd.f32 v0, v4  }
0x146: {  	v2 =	vadd.f32 v2, v5;
	v3 =	vadd.f32 v6, v7  }
0x147: {  	s17 =	simm.s32 $0x80  }
0x148: {  	v26 =	vld [tilespmem:s17+$0x63B0];
	v0 =	vadd.f32 v0, v1;
	v1 =	vadd.f32 v3, v2  }
0x149: {  	v29 =	vld [tilespmem:s17+$0x6390]  }
0x14a: {  	v20 =	vld [tilespmem:s17+$0x63A0];
	v0 =	vadd.f32 v0, v1  }
0x14b: {  	v23 =	vld [tilespmem:s17+$0x6380]  }
0x14c: {  	v17 =	vld [tilespmem:s17+$0x6340];
	(xrf2) =	vadd.scan.msk.f32 $0xffff, v0  }
0x14d: {  	v27 =	vld [tilespmem:s17+$0x6370]  }
0x14e: {  	v19 =	vld [tilespmem:s17+$0x6350]  }
0x14f: {  	v24 =	vld [tilespmem:s17+$0x6360];
	_ =	sdelay $0x1  }
0x150: {  	v4 =	vmul.f32 v20, v20;
	v5 =	vmul.f32 v17, v17  }
0x151: {  	v6 =	vmul.f32 v27, v27;
	v3 =	vmul.f32 v23, v23  }
0x152: {  	v2 =	vmul.f32 v19, v19;
	v1 =	vmul.f32 v29, v29  }
0x153: {  	v7 =	vmul.f32 v24, v24;
	v0 =	vmul.f32 v26, v26  }
0x154: {  	v2 =	vadd.f32 v2, v5;
	v1 =	vadd.f32 v1, v3  }
0x155: {  	v0 =	vadd.f32 v0, v4;
	v4 =	vadd.f32 v6, v7;
	v3, _, _ =	vpop (xrf2)  }
0x156: {  	(v2sf) =	vpush v3, $0xF  }
0x157: {  	v0 =	vadd.f32 v0, v1;
	v1 =	vadd.f32 v4, v2  }
0x158: {  	s15 =	simm.s32 $0x100  }
0x159: {  	v15 =	vld [tilespmem:s15+$0x63B0];
	v0 =	vadd.f32 v0, v1  }
0x15a: {  	v21 =	vld [tilespmem:s15+$0x6390]  }
0x15b: {  	v11 =	vld [tilespmem:s15+$0x6350];
	(xrf2) =	vadd.scan.msk.f32 $0xffff, v0  }
0x15c: {  	v10 =	vld [tilespmem:s15+$0x63A0]  }
0x15d: {  	v14 =	vld [tilespmem:s15+$0x6360]  }
0x15e: {  	v13 =	vld [tilespmem:s15+$0x6380]  }
0x15f: {  	v7 =	vld [tilespmem:s15+$0x6340]  }
0x160: {  	v22 =	vld [tilespmem:s15+$0x6370]  }
0x161: {  	v4 =	vmul.f32 v10, v10  }
0x162: {  	v6 =	vmul.f32 v14, v14;
	v1 =	vmul.f32 v21, v21  }
0x163: {  	v0 =	vmul.f32 v15, v15;
	v3 =	vmul.f32 v13, v13  }
0x164: {  	v2 =	vmul.f32 v11, v11;
	v5 =	vmul.f32 v7, v7  }
0x165: {  	v0 =	vadd.f32 v0, v4;
	v1 =	vadd.f32 v1, v3;
	v3 =	vmul.f32 v22, v22;
	v4, _, _ =	vpop (xrf2);
	s22 =	spop (v2sf)  }
0x166: {  	v2 =	vadd.f32 v2, v5;
	(v2sf) =	vpush v4, $0xF;
	s0 =	smax.f32 s22, $9.999999960e-13  }
0x167: {  	v3 =	vadd.f32 v3, v6;
	v0 =	vadd.f32 v0, v1;
	v1 =	vmov s0  }
0x168: {  	s3 =	simm.s32 $0x180;
	v4 =	vshra.s32 v1, $0x1;
	v5 =	vmul.f32 $5.000000000e-01, v1  }
0x169: {  	v8 =	vld [tilespmem:s3+$0x63B0];
	v1 =	vadd.f32 v3, v2;
	v3 =	vsub.s32 $0x5F3759DF, v4  }
0x16a: {  	v12 =	vld [tilespmem:s3+$0x6390];
	v2 =	vmul.f32 v3, v5  }
0x16b: {  	v6 =	vld [tilespmem:s3+$0x6380];
	v0 =	vadd.f32 v0, v1  }
0x16c: {  	v1 =	vld [tilespmem:s3+$0x63A0];
	v9 =	vmul.f32 v3, v2  }
0x16d: {  	v18 =	vld [tilespmem:s3+$0x6370];
	(xrf2) =	vadd.scan.msk.f32 $0xffff, v0  }
0x16e: {  	v25 =	vld [tilespmem:s3+$0x6360];
	v0 =	vsub.f32 $1.500000000e+00, v9  }
0x16f: {  	v16 =	vmul.f32 v8, v8;
	v4 =	vld [tilespmem:s3+$0x6340]  }
0x170: {  	v28 =	vmul.f32 v12, v12;
	v2 =	vld [tilespmem:s3+$0x6350];
	v53 =	vmul.f32 v3, v0  }
0x171: {  	s30 =	simm.s32 $0x200;
	v0 =	vmul.f32 v6, v6;
	v3 =	vmul.f32 v1, v1  }
0x172: {  	v9 =	vld [tilespmem:s30+$0x63B0];
	v54 =	vmul.f32 v53, v5  }
0x173: {  	v56 =	vmul.f32 v18, v18;
	v28 =	vadd.f32 v28, v0;
	v3 =	vadd.f32 v16, v3;
	v5 =	vld [tilespmem:s30+$0x6390]  }
0x174: {  	v58 =	vmul.f32 v25, v25;
	v0 =	vld [tilespmem:s30+$0x6350];
	v39 =	vmul.f32 v54, v53  }
0x175: {  	v55 =	vmul.f32 v2, v2;
	v46 =	vadd.f32 v3, v28;
	s26 =	spop (v2sf);
	v3 =	vmul.f32 v4, v4  }
0x176: {  	v63 =	vadd.f32 v56, v58;
	v16 =	vld [tilespmem:s30+$0x63A0];
	s0 =	smax.f32 s26, $9.999999960e-13;
	v57 =	vsub.f32 $1.500000000e+00, v39  }
0x177: {  	v28 =	vld [tilespmem:s30+$0x6380];
	v39 =	vmul.f32 v9, v9;
	v59, _, _ =	vpop (xrf2);
	v60 =	vmov s0;
	v61 =	vadd.f32 v55, v3  }
0x178: {  	v40 =	vld [tilespmem:s20+$0x123A0];
	(v2sf) =	vpush v59, $0xF;
	v62 =	vshra.s32 v60, $0x1;
	v41 =	vmul.f32 $5.000000000e-01, v60  }
0x179: {  	v3 =	vld [tilespmem:s30+$0x6340];
	v43 =	vmul.f32 v5, v5;
	v38 =	vmul.f32 v0, v0;
	v47 =	vsub.s32 $0x5F3759DF, v62  }
0x17a: {  	v45 =	vld [tilespmem:s20+$0x12360];
	s22 =	simm.s32 $0xA00;
	v44 =	vmul.f32 v57, v53;
	v49 =	vadd.f32 v63, v61;
	v48 =	vmul.f32 v47, v41  }
.LBB2_6:
0x17b: {  	v42 =	vmovc v20;
	v20 =	vmovc v10;
	v10 =	vmov v1;
	v1 =	vmov v16;
	v51 =	vmov v31  }
0x17c: {  	p0 =	sne.s32 s22, $0xFE00;
	v50 =	vld [tilespmem:s20+$0x12380];
	v31 =	vmovc v23;
	v23 =	vmovc v13;
	v13 =	vmov v6;
	v6 =	vmov v28;
	v52 =	vmov v30;
	s0 =	smov.u32 s22;
	s22 =	sadd.s32 $0x200, s22  }
0x17d: {  	v30 =	vmovc v17;
	v17 =	vmovc v7;
	v7 =	vmov v4;
	v46 =	vadd.f32 v46, v49;
	v48 =	vmul.f32 v47, v48;
	v49 =	vld [tilespmem:s20+$0x123B0]  }
0x17e: {  	v53 =	vmul.f32 v44, v32;
	v32 =	vmovc v24;
	v24 =	vmovc v14;
	v14 =	vmov v25;
	v4 =	vmov v3;
	v54 =	vld [tilespmem:s20+$0x12390]  }
0x17f: {  	v25 =	vmul.f32 v28, v6;
	(xrf2) =	vadd.scan.msk.f32 $0xffff, v46;
	v28 =	vsub.f32 $1.500000000e+00, v48;
	v46 =	vld [tilespmem:s20+$0x12370];
	v48 =	vmul.f32 v44, v33;
	v33 =	vmovc v26  }
0x180: {  	v56 =	vmul.f32 v44, v35;
	v37 =	vmul.f32 v44, v37;
	v26 =	vmovc v15;
	v15 =	vmovc v8;
	v8 =	vmov v9;
	v55 =	vld [tilespmem:s20+$0x12350]  }
0x181: {  	v35 =	vmovc v29;
	v51 =	vmul.f32 v44, v51;
	v9 =	vmul.f32 v16, v1;
	v43 =	vadd.f32 v43, v25;
	v16 =	vld [tilespmem:s20+$0x12340]  }
0x182: {  	v58 =	vmul.f32 v47, v28;
	v28 =	vmul.f32 v44, v34;
	v34 =	vmovc v27;
	v57 =	vld [tilespmem:s30+$0x6370];
	v59 =	vadd.f32 v48, v49  }
0x183: {  	v36 =	vmul.f32 v44, v36;
	s26 =	sshra.s32 s0, $0x2;
	v39 =	vadd.f32 v39, v9;
	v27 =	vmovc v22;
	v25 =	vld [tilespmem:s30+$0x6360];
	v47 =	vadd.f32 v56, v54  }
0x184: {  	v44 =	vmul.f32 v44, v52;
	v41 =	vmul.f32 v58, v41;
	v9 =	vld [tilespmem:s26+$0x63B0];
	v28 =	vadd.f32 v28, v46;
	[tilespmem:s20+$0x1A3B0] =	vst v59  }
0x185: {  	v29 =	vmovc v21;
	v22 =	vmov v18;
	v49 =	vadd.f32 v51, v50;
	v48 =	vld [tilespmem:s26+$0x6390];
	v36 =	vadd.f32 v36, v55;
	[tilespmem:s20+$0x1A390] =	vst v47  }
0x186: {  	v45 =	vadd.f32 v53, v45;
	v41 =	vmul.f32 v41, v58;
	v50 =	vld [tilespmem:s26+$0x6350];
	v44 =	vadd.f32 v44, v16;
	[tilespmem:s20+$0x1A370] =	vst v28  }
0x187: {  	v21 =	vmovc v12;
	v37 =	vadd.f32 v37, v40;
	v46 =	vadd.f32 v39, v43;
	v16 =	vld [tilespmem:s26+$0x63A0];
	s0 =	spop (v2sf);
	[tilespmem:s20+$0x1A380] =	vst v49;
	v18 =	vmov v57  }
0x188: {  	v12 =	vmovc v5;
	v40 =	vmul.f32 v3, v4;
	v49 =	vsub.f32 $1.500000000e+00, v41;
	v28 =	vld [tilespmem:s26+$0x6380];
	v47 =	vmul.f32 v57, v18;
	s0 =	smax.f32 s0, $9.999999960e-13;
	[tilespmem:s20+$0x1A360] =	vst v45  }
.Ltmp2:
0x189: {  	v41 =	vmul.f32 v25, v25;
	v3 =	vld [tilespmem:s26+$0x6340];
	v39 =	vmul.f32 v9, v9;
	v5, _, _ =	vpop (xrf2);
	v45 =	vmov s0;
	[tilespmem:s20+$0x1A3A0] =	vst v37;
	(pc) =	sbr.rel @p0 .LBB2_6-.Ltmp2, $4  }
0x18a: {  	v51 =	vadd.f32 v38, v40;
	(v2sf) =	vpush v5, $0xF;
	v38 =	vshra.s32 v45, $0x1;
	[tilespmem:s20+$0x1A350] =	vst v36;
	v5 =	vmovc v48;
	v36 =	vmovc v19  }
0x18b: {  	v19 =	vmovc v11;
	v43 =	vmul.f32 v48, v5;
	v48 =	vadd.f32 v47, v41;
	v41 =	vmul.f32 $5.000000000e-01, v45;
	[tilespmem:s20+$0x1A340] =	vst v44;
	s20 =	smov.u32 s17;
	s17 =	smov.u32 s15;
	s15 =	smov.u32 s3  }
0x18c: {  	v11 =	vmovc v2;
	v2 =	vmovc v0;
	v47 =	vsub.s32 $0x5F3759DF, v38;
	v44 =	vmul.f32 v49, v58;
	v0 =	vmov v50;
	s3 =	smov.u32 s30;
	s30 =	smov.u32 s26;
	v40 =	vld [tilespmem:s20+$0x123A0]  }
0x18d: {  	v37 =	vmovc v42;
	v38 =	vmul.f32 v50, v0;
	v49 =	vadd.f32 v48, v51;
	v48 =	vmul.f32 v47, v41;
	v45 =	vld [tilespmem:s20+$0x12360]  }
0x18e: {  	v50 =	vld [tilespmem:s20+$0x123B0]  }
0x18f: {  	v51 =	vld [tilespmem:s20+$0x12390]  }
0x190: {  	v60 =	vld [tilespmem:s20+$0x12370];
	v46 =	vadd.f32 v46, v49  }
0x191: {  	v52 =	vmul.f32 v44, v33;
	v53 =	vld [tilespmem:s20+$0x12350];
	v35 =	vmul.f32 v44, v35  }
0x192: {  	v33 =	vld [tilespmem:s30+$0x6370];
	v62 =	vmul.f32 v44, v31;
	v37 =	vmul.f32 v44, v37;
	(xrf2) =	vadd.scan.msk.f32 $0xffff, v46  }
0x193: {  	v31 =	vld [tilespmem:s30+$0x6360];
	v32 =	vmul.f32 v44, v32;
	v48 =	vmul.f32 v47, v48  }
0x194: {  	v42 =	vld [tilespmem:s20+$0x12380];
	v34 =	vmul.f32 v44, v34;
	v63 =	vmul.f32 v28, v28;
	v37 =	vadd.f32 v37, v40  }
0x195: {  	v36 =	vmul.f32 v44, v36;
	v48 =	vsub.f32 $1.500000000e+00, v48;
	v32 =	vadd.f32 v32, v45  }
0x196: {  	v61 =	vld [tilespmem:s20+$0x12340];
	v30 =	vmul.f32 v44, v30;
	v50 =	vadd.f32 v52, v50;
	v35 =	vadd.f32 v35, v51;
	[tilespmem:s20+$0x1A3A0] =	vst v37  }
0x197: {  	v34 =	vadd.f32 v34, v60;
	v48 =	vmul.f32 v47, v48;
	v52 =	vmul.f32 v3, v3;
	[tilespmem:s20+$0x1A360] =	vst v32  }
0x198: {  	v36 =	vadd.f32 v36, v53;
	v53 =	vmul.f32 v33, v33;
	v54 =	vmul.f32 v31, v31;
	[tilespmem:s20+$0x1A3B0] =	vst v50  }
0x199: {  	v55 =	vadd.f32 v43, v63;
	v42 =	vadd.f32 v62, v42;
	[tilespmem:s20+$0x1A390] =	vst v35;
	v50 =	vmul.f32 v16, v16  }
0x19a: {  	[tilespmem:s20+$0x1A370] =	vst v34;
	v51 =	vmul.f32 v48, v41;
	v38 =	vadd.f32 v38, v52;
	v32 =	vadd.f32 v53, v54  }
0x19b: {  	v30 =	vadd.f32 v30, v61;
	[tilespmem:s20+$0x1A380] =	vst v42;
	v34 =	vadd.f32 v39, v50  }
0x19c: {  	[tilespmem:s20+$0x1A350] =	vst v36;
	v56 =	vmul.f32 v51, v48;
	v32 =	vadd.f32 v32, v38;
	v57, _, _ =	vpop (xrf2)  }
0x19d: {  	[tilespmem:s20+$0x1A340] =	vst v30;
	s0 =	spop (v2sf);
	v34 =	vadd.f32 v34, v55;
	(v2sf) =	vpush v57, $0xF  }
0x19e: {  	v60 =	vld [tilespmem:s17+$0x123B0];
	v30 =	vsub.f32 $1.500000000e+00, v56;
	s0 =	smax.f32 s0, $9.999999960e-13  }
0x19f: {  	v62 =	vld [tilespmem:s17+$0x12390];
	v59 =	vmov s0;
	v32 =	vadd.f32 v34, v32  }
0x1a0: {  	v63 =	vld [tilespmem:s17+$0x12370];
	v30 =	vmul.f32 v30, v48;
	v61 =	vshra.s32 v59, $0x1;
	v37 =	vmul.f32 $5.000000000e-01, v59  }
0x1a1: {  	v46 =	vld [tilespmem:s17+$0x12380];
	v39 =	vsub.s32 $0x5F3759DF, v61;
	(xrf2) =	vadd.scan.msk.f32 $0xffff, v32  }
0x1a2: {  	v49 =	vld [tilespmem:s17+$0x12350];
	v26 =	vmul.f32 v30, v26;
	v45 =	vmul.f32 v39, v37  }
0x1a3: {  	v47 =	vld [tilespmem:s17+$0x12360];
	v29 =	vmul.f32 v30, v29  }
0x1a4: {  	v27 =	vmul.f32 v30, v27;
	v26 =	vadd.f32 v26, v60;
	v48 =	vmul.f32 v39, v45  }
0x1a5: {  	v58 =	vld [tilespmem:s17+$0x123A0];
	v23 =	vmul.f32 v30, v23;
	v19 =	vmul.f32 v30, v19;
	v29 =	vadd.f32 v29, v62  }
0x1a6: {  	v50 =	vld [tilespmem:s17+$0x12340];
	v24 =	vmul.f32 v30, v24;
	v27 =	vadd.f32 v27, v63;
	[tilespmem:s17+$0x1A3B0] =	vst v26;
	v32 =	vsub.f32 $1.500000000e+00, v48  }
0x1a7: {  	v23 =	vadd.f32 v23, v46;
	v19 =	vadd.f32 v19, v49;
	[tilespmem:s17+$0x1A390] =	vst v29  }
0x1a8: {  	v20 =	vmul.f32 v30, v20;
	v24 =	vadd.f32 v24, v47;
	[tilespmem:s17+$0x1A370] =	vst v27;
	v26 =	vmul.f32 v39, v32  }
0x1a9: {  	v17 =	vmul.f32 v30, v17;
	[tilespmem:s17+$0x1A380] =	vst v23  }
0x1aa: {  	v20 =	vadd.f32 v20, v58;
	[tilespmem:s17+$0x1A360] =	vst v24;
	v23 =	vmul.f32 v26, v37  }
0x1ab: {  	v17 =	vadd.f32 v17, v50;
	[tilespmem:s17+$0x1A350] =	vst v19;
	v19, _, _ =	vpop (xrf2)  }
0x1ac: {  	[tilespmem:s17+$0x1A3A0] =	vst v20;
	v20 =	vmul.f32 v23, v26;
	s22 =	spop (v2sf);
	(v2sf) =	vpush v19, $0xF  }
0x1ad: {  	[tilespmem:s17+$0x1A340] =	vst v17;
	s0 =	smax.f32 s22, $9.999999960e-13  }
0x1ae: {  	v27 =	vld [tilespmem:s15+$0x12370];
	v17 =	vsub.f32 $1.500000000e+00, v20;
	v20 =	vmov s0  }
0x1af: {  	v23 =	vld [tilespmem:s15+$0x123B0];
	v24 =	vshra.s32 v20, $0x1;
	v20 =	vmul.f32 $5.000000000e-01, v20  }
0x1b0: {  	v17 =	vmul.f32 v17, v26;
	v26 =	vld [tilespmem:s15+$0x12390];
	v24 =	vsub.s32 $0x5F3759DF, v24  }
0x1b1: {  	v30 =	vld [tilespmem:s15+$0x12380];
	v29 =	vmul.f32 v24, v20  }
0x1b2: {  	v51 =	vld [tilespmem:s15+$0x12360];
	v15 =	vmul.f32 v17, v15;
	v22 =	vmul.f32 v17, v22  }
0x1b3: {  	v19 =	vld [tilespmem:s15+$0x123A0];
	v21 =	vmul.f32 v17, v21;
	v29 =	vmul.f32 v24, v29  }
0x1b4: {  	v52 =	vld [tilespmem:s15+$0x12350];
	v13 =	vmul.f32 v17, v13;
	v15 =	vadd.f32 v15, v23;
	v22 =	vadd.f32 v22, v27  }
0x1b5: {  	v14 =	vmul.f32 v17, v14;
	v21 =	vadd.f32 v21, v26;
	v26 =	vsub.f32 $1.500000000e+00, v29  }
0x1b6: {  	v10 =	vmul.f32 v17, v10;
	v23 =	vld [tilespmem:s15+$0x12340];
	v13 =	vadd.f32 v13, v30;
	[tilespmem:s15+$0x1A3B0] =	vst v15  }
0x1b7: {  	v11 =	vmul.f32 v17, v11;
	v14 =	vadd.f32 v14, v51;
	[tilespmem:s15+$0x1A370] =	vst v22;
	v15 =	vmul.f32 v24, v26  }
0x1b8: {  	v10 =	vadd.f32 v10, v19;
	[tilespmem:s15+$0x1A380] =	vst v13  }
0x1b9: {  	v7 =	vmul.f32 v17, v7;
	v11 =	vadd.f32 v11, v52;
	[tilespmem:s15+$0x1A360] =	vst v14;
	v13 =	vmul.f32 v15, v20  }
0x1ba: {  	[tilespmem:s15+$0x1A3A0] =	vst v10  }
0x1bb: {  	[tilespmem:s15+$0x1A350] =	vst v11;
	v7 =	vadd.f32 v7, v23;
	v10 =	vmul.f32 v13, v15;
	s26 =	spop (v2sf)  }
0x1bc: {  	[tilespmem:s15+$0x1A390] =	vst v21;
	s0 =	smax.f32 s26, $9.999999960e-13  }
0x1bd: {  	[tilespmem:s15+$0x1A340] =	vst v7;
	v7 =	vsub.f32 $1.500000000e+00, v10;
	v11 =	vmov s0  }
0x1be: {  	v13 =	vld [tilespmem:s3+$0x123B0];
	v14 =	vshra.s32 v11, $0x1;
	v11 =	vmul.f32 $5.000000000e-01, v11  }
0x1bf: {  	v17 =	vld [tilespmem:s3+$0x12370];
	v7 =	vmul.f32 v7, v15;
	v14 =	vsub.s32 $0x5F3759DF, v14  }
0x1c0: {  	v20 =	vld [tilespmem:s3+$0x12380];
	v19 =	vmul.f32 v14, v11  }
0x1c1: {  	v10 =	vld [tilespmem:s3+$0x123A0];
	v8 =	vmul.f32 v7, v8  }
0x1c2: {  	v15 =	vld [tilespmem:s3+$0x12390];
	v18 =	vmul.f32 v7, v18;
	v19 =	vmul.f32 v14, v19  }
0x1c3: {  	v22 =	vld [tilespmem:s3+$0x12350];
	v6 =	vmul.f32 v7, v6;
	v8 =	vadd.f32 v8, v13  }
0x1c4: {  	v21 =	vld [tilespmem:s3+$0x12360];
	v1 =	vmul.f32 v7, v1;
	v17 =	vadd.f32 v18, v17;
	v19 =	vsub.f32 $1.500000000e+00, v19  }
0x1c5: {  	v12 =	vmul.f32 v7, v12;
	v13 =	vld [tilespmem:s3+$0x12340];
	v6 =	vadd.f32 v6, v20;
	[tilespmem:s3+$0x1A3B0] =	vst v8  }
0x1c6: {  	v2 =	vmul.f32 v7, v2;
	v1 =	vadd.f32 v1, v10;
	[tilespmem:s3+$0x1A370] =	vst v17;
	v8 =	vmul.f32 v14, v19  }
0x1c7: {  	v12 =	vadd.f32 v12, v15;
	v15 =	vmul.f32 v7, v25;
	[tilespmem:s3+$0x1A380] =	vst v6  }
0x1c8: {  	v4 =	vmul.f32 v7, v4;
	v2 =	vadd.f32 v2, v22;
	[tilespmem:s3+$0x1A3A0] =	vst v1;
	v6 =	vmul.f32 v8, v11  }
0x1c9: {  	[tilespmem:s3+$0x1A390] =	vst v12;
	v12 =	vadd.f32 v15, v21  }
0x1ca: {  	[tilespmem:s3+$0x1A350] =	vst v2;
	v4 =	vadd.f32 v4, v13;
	v1 =	vmul.f32 v6, v8  }
0x1cb: {  	[tilespmem:s3+$0x1A360] =	vst v12  }
0x1cc: {  	[tilespmem:s3+$0x1A340] =	vst v4;
	v1 =	vsub.f32 $1.500000000e+00, v1  }
0x1cd: {  	v4 =	vld [tilespmem:s30+$0x123B0]  }
0x1ce: {  	v6 =	vld [tilespmem:s30+$0x12390];
	v1 =	vmul.f32 v1, v8  }
0x1cf: {  	v7 =	vld [tilespmem:s30+$0x12370]  }
0x1d0: {  	v11 =	vld [tilespmem:s30+$0x12350];
	v9 =	vmul.f32 v1, v9  }
0x1d1: {  	v8 =	vld [tilespmem:s30+$0x12380];
	v5 =	vmul.f32 v1, v5  }
0x1d2: {  	v10 =	vld [tilespmem:s30+$0x12360];
	v12 =	vmul.f32 v1, v33;
	v4 =	vadd.f32 v9, v4  }
0x1d3: {  	v2 =	vld [tilespmem:s30+$0x123A0];
	v0 =	vmul.f32 v1, v0;
	v5 =	vadd.f32 v5, v6  }
0x1d4: {  	v13 =	vmul.f32 v1, v28;
	v9 =	vld [tilespmem:s30+$0x12340];
	v7 =	vadd.f32 v12, v7;
	[tilespmem:s30+$0x1A3B0] =	vst v4  }
0x1d5: {  	v6 =	vmul.f32 v1, v31;
	v0 =	vadd.f32 v0, v11;
	[tilespmem:s30+$0x1A390] =	vst v5  }
0x1d6: {  	v8 =	vadd.f32 v13, v8;
	v4 =	vmul.f32 v1, v16;
	[tilespmem:s30+$0x1A370] =	vst v7  }
0x1d7: {  	v5 =	vadd.f32 v6, v10;
	v1 =	vmul.f32 v1, v3;
	[tilespmem:s30+$0x1A350] =	vst v0  }
0x1d8: {  	[tilespmem:s30+$0x1A380] =	vst v8;
	v2 =	vadd.f32 v4, v2  }
0x1d9: {  	[tilespmem:s30+$0x1A360] =	vst v5;
	v1 =	vadd.f32 v1, v9  }
0x1da: {  	[tilespmem:s30+$0x1A3A0] =	vst v2  }
0x1db: {  	s15 =	simm.s32 $0x1A340;
	s3 =	simm.s32 $0x0;
	[tilespmem:s30+$0x1A340] =	vst v1  }
0x1dc: {  	[hbm4b:s10+s3] =	stream.linear.scatter [tilespmem:s15], [sflag:$0x7], $0x4000, $0x38;
	[tilespmem:$0x1E340] =	vst v63  }
0x1dd: {  	s20 =	simm.s32 $0x380;
	s17 =	simm.s32 $0x12340  }
0x1de: {  	[tilespmem:s17], [sflag:$0x5] =	stream.indirect.gather [spmem:s2], $0x80, s20, s16, $0xb8;
	[tilespmem:$0x1E340] =	vst v63  }
0x1df: {  	_ =	swait.ge [sflag:s18], $0x4000  }
0x1e0: {  	[sflag:s18] =	ssyncset.done $0x0  }
0x1e1: {  	[sflag:s18] =	ssyncadd.s32 $0xFFFFC000  }
0x1e2: {  	_ =	swait.ge [sflag:s25], $0x4000  }
0x1e3: {  	[sflag:s25] =	ssyncset.done $0x0  }
0x1e4: {  	[sflag:s25] =	ssyncadd.s32 $0xFFFFC000  }
0x1e5: {  	_ =	swait.ge [sflag:s21], $0x4000  }
0x1e6: {  	[sflag:s21] =	ssyncset.done $0x0  }
0x1e7: {  	s20 =	simm.s32 $0x0;
	[sflag:s21] =	ssyncadd.s32 $0xFFFFC000  }
0x1e8: {  	v33 =	vld [tilespmem:s20+$0xA3B0]  }
0x1e9: {  	v35 =	vld [tilespmem:s20+$0xA390]  }
0x1ea: {  	v36 =	vld [tilespmem:s20+$0xA350]  }
0x1eb: {  	v37 =	vld [tilespmem:s20+$0xA3A0]  }
0x1ec: {  	v31 =	vld [tilespmem:s20+$0xA380]  }
0x1ed: {  	v30 =	vld [tilespmem:s20+$0xA340]  }
0x1ee: {  	v34 =	vld [tilespmem:s20+$0xA370]  }
0x1ef: {  	v32 =	vld [tilespmem:s20+$0xA360];
	_ =	sdelay $0x1  }
0x1f0: {  	v0 =	vmul.f32 v33, v33;
	v1 =	vmul.f32 v35, v35  }
0x1f1: {  	v2 =	vmul.f32 v36, v36;
	v3 =	vmul.f32 v31, v31  }
0x1f2: {  	v4 =	vmul.f32 v37, v37;
	v5 =	vmul.f32 v30, v30  }
0x1f3: {  	v6 =	vmul.f32 v34, v34;
	v7 =	vmul.f32 v32, v32  }
0x1f4: {  	v1 =	vadd.f32 v1, v3;
	v0 =	vadd.f32 v0, v4  }
0x1f5: {  	v2 =	vadd.f32 v2, v5;
	v3 =	vadd.f32 v6, v7  }
0x1f6: {  	s17 =	simm.s32 $0x80  }
0x1f7: {  	v26 =	vld [tilespmem:s17+$0xA3B0];
	v0 =	vadd.f32 v0, v1;
	v1 =	vadd.f32 v3, v2  }
0x1f8: {  	v29 =	vld [tilespmem:s17+$0xA390]  }
0x1f9: {  	v20 =	vld [tilespmem:s17+$0xA3A0];
	v0 =	vadd.f32 v0, v1  }
0x1fa: {  	v23 =	vld [tilespmem:s17+$0xA380]  }
0x1fb: {  	v17 =	vld [tilespmem:s17+$0xA340];
	(xrf2) =	vadd.scan.msk.f32 $0xffff, v0  }
0x1fc: {  	v27 =	vld [tilespmem:s17+$0xA370]  }
0x1fd: {  	v19 =	vld [tilespmem:s17+$0xA350]  }
0x1fe: {  	v24 =	vld [tilespmem:s17+$0xA360];
	_ =	sdelay $0x1  }
0x1ff: {  	v4 =	vmul.f32 v20, v20;
	v5 =	vmul.f32 v17, v17  }
0x200: {  	v6 =	vmul.f32 v27, v27;
	v3 =	vmul.f32 v23, v23  }
0x201: {  	v2 =	vmul.f32 v19, v19;
	v1 =	vmul.f32 v29, v29  }
0x202: {  	v7 =	vmul.f32 v24, v24;
	v0 =	vmul.f32 v26, v26  }
0x203: {  	v2 =	vadd.f32 v2, v5;
	v1 =	vadd.f32 v1, v3  }
0x204: {  	v0 =	vadd.f32 v0, v4;
	v4 =	vadd.f32 v6, v7;
	v3, _, _ =	vpop (xrf2)  }
0x205: {  	(v2sf) =	vpush v3, $0xF  }
0x206: {  	v0 =	vadd.f32 v0, v1;
	v1 =	vadd.f32 v4, v2  }
0x207: {  	s15 =	simm.s32 $0x100  }
0x208: {  	v15 =	vld [tilespmem:s15+$0xA3B0];
	v0 =	vadd.f32 v0, v1  }
0x209: {  	v21 =	vld [tilespmem:s15+$0xA390]  }
0x20a: {  	v11 =	vld [tilespmem:s15+$0xA350];
	(xrf2) =	vadd.scan.msk.f32 $0xffff, v0  }
0x20b: {  	v10 =	vld [tilespmem:s15+$0xA3A0]  }
0x20c: {  	v14 =	vld [tilespmem:s15+$0xA360]  }
0x20d: {  	v13 =	vld [tilespmem:s15+$0xA380]  }
0x20e: {  	v7 =	vld [tilespmem:s15+$0xA340]  }
0x20f: {  	v22 =	vld [tilespmem:s15+$0xA370]  }
0x210: {  	v4 =	vmul.f32 v10, v10  }
0x211: {  	v6 =	vmul.f32 v14, v14;
	v1 =	vmul.f32 v21, v21  }
0x212: {  	v0 =	vmul.f32 v15, v15;
	v3 =	vmul.f32 v13, v13  }
0x213: {  	v2 =	vmul.f32 v11, v11;
	v5 =	vmul.f32 v7, v7  }
0x214: {  	v0 =	vadd.f32 v0, v4;
	v1 =	vadd.f32 v1, v3;
	v3 =	vmul.f32 v22, v22;
	v4, _, _ =	vpop (xrf2);
	s22 =	spop (v2sf)  }
0x215: {  	v2 =	vadd.f32 v2, v5;
	(v2sf) =	vpush v4, $0xF;
	s0 =	smax.f32 s22, $9.999999960e-13  }
0x216: {  	v3 =	vadd.f32 v3, v6;
	v0 =	vadd.f32 v0, v1;
	v1 =	vmov s0  }
0x217: {  	s3 =	simm.s32 $0x180;
	v4 =	vshra.s32 v1, $0x1;
	v5 =	vmul.f32 $5.000000000e-01, v1  }
0x218: {  	v8 =	vld [tilespmem:s3+$0xA3B0];
	v1 =	vadd.f32 v3, v2;
	v3 =	vsub.s32 $0x5F3759DF, v4  }
0x219: {  	v12 =	vld [tilespmem:s3+$0xA390];
	v2 =	vmul.f32 v3, v5  }
0x21a: {  	v6 =	vld [tilespmem:s3+$0xA380];
	v0 =	vadd.f32 v0, v1  }
0x21b: {  	v1 =	vld [tilespmem:s3+$0xA3A0];
	v9 =	vmul.f32 v3, v2  }
0x21c: {  	v18 =	vld [tilespmem:s3+$0xA370];
	(xrf2) =	vadd.scan.msk.f32 $0xffff, v0  }
0x21d: {  	v25 =	vld [tilespmem:s3+$0xA360];
	v0 =	vsub.f32 $1.500000000e+00, v9  }
0x21e: {  	v16 =	vmul.f32 v8, v8;
	v4 =	vld [tilespmem:s3+$0xA340]  }
0x21f: {  	v28 =	vmul.f32 v12, v12;
	v2 =	vld [tilespmem:s3+$0xA350];
	v53 =	vmul.f32 v3, v0  }
0x220: {  	s30 =	simm.s32 $0x200;
	v0 =	vmul.f32 v6, v6;
	v3 =	vmul.f32 v1, v1  }
0x221: {  	v9 =	vld [tilespmem:s30+$0xA3B0];
	v54 =	vmul.f32 v53, v5  }
0x222: {  	v56 =	vmul.f32 v18, v18;
	v28 =	vadd.f32 v28, v0;
	v3 =	vadd.f32 v16, v3;
	v5 =	vld [tilespmem:s30+$0xA390]  }
0x223: {  	v58 =	vmul.f32 v25, v25;
	v0 =	vld [tilespmem:s30+$0xA350];
	v39 =	vmul.f32 v54, v53  }
0x224: {  	v55 =	vmul.f32 v2, v2;
	v46 =	vadd.f32 v3, v28;
	s26 =	spop (v2sf);
	v3 =	vmul.f32 v4, v4  }
0x225: {  	v63 =	vadd.f32 v56, v58;
	v16 =	vld [tilespmem:s30+$0xA3A0];
	s0 =	smax.f32 s26, $9.999999960e-13;
	v57 =	vsub.f32 $1.500000000e+00, v39  }
0x226: {  	v28 =	vld [tilespmem:s30+$0xA380];
	v39 =	vmul.f32 v9, v9;
	v59, _, _ =	vpop (xrf2);
	v60 =	vmov s0;
	v61 =	vadd.f32 v55, v3  }
0x227: {  	v40 =	vld [tilespmem:s20+$0xE3A0];
	(v2sf) =	vpush v59, $0xF;
	v62 =	vshra.s32 v60, $0x1;
	v41 =	vmul.f32 $5.000000000e-01, v60  }
0x228: {  	v3 =	vld [tilespmem:s30+$0xA340];
	v43 =	vmul.f32 v5, v5;
	v38 =	vmul.f32 v0, v0;
	v47 =	vsub.s32 $0x5F3759DF, v62  }
0x229: {  	v45 =	vld [tilespmem:s20+$0xE360];
	s22 =	simm.s32 $0xA00;
	v44 =	vmul.f32 v57, v53;
	v49 =	vadd.f32 v63, v61;
	v48 =	vmul.f32 v47, v41  }
.LBB2_8:
0x22a: {  	v42 =	vmovc v20;
	v20 =	vmovc v10;
	v10 =	vmov v1;
	v1 =	vmov v16;
	v51 =	vmov v31  }
0x22b: {  	p0 =	sne.s32 s22, $0xFE00;
	v50 =	vld [tilespmem:s20+$0xE380];
	v31 =	vmovc v23;
	v23 =	vmovc v13;
	v13 =	vmov v6;
	v6 =	vmov v28;
	v52 =	vmov v30;
	s0 =	smov.u32 s22;
	s22 =	sadd.s32 $0x200, s22  }
0x22c: {  	v30 =	vmovc v17;
	v17 =	vmovc v7;
	v7 =	vmov v4;
	v46 =	vadd.f32 v46, v49;
	v48 =	vmul.f32 v47, v48;
	v49 =	vld [tilespmem:s20+$0xE3B0]  }
0x22d: {  	v53 =	vmul.f32 v44, v32;
	v32 =	vmovc v24;
	v24 =	vmovc v14;
	v14 =	vmov v25;
	v4 =	vmov v3;
	v54 =	vld [tilespmem:s20+$0xE390]  }
0x22e: {  	v25 =	vmul.f32 v28, v6;
	(xrf2) =	vadd.scan.msk.f32 $0xffff, v46;
	v28 =	vsub.f32 $1.500000000e+00, v48;
	v46 =	vld [tilespmem:s20+$0xE370];
	v48 =	vmul.f32 v44, v33;
	v33 =	vmovc v26  }
0x22f: {  	v56 =	vmul.f32 v44, v35;
	v37 =	vmul.f32 v44, v37;
	v26 =	vmovc v15;
	v15 =	vmovc v8;
	v8 =	vmov v9;
	v55 =	vld [tilespmem:s20+$0xE350]  }
0x230: {  	v35 =	vmovc v29;
	v51 =	vmul.f32 v44, v51;
	v9 =	vmul.f32 v16, v1;
	v43 =	vadd.f32 v43, v25;
	v16 =	vld [tilespmem:s20+$0xE340]  }
0x231: {  	v58 =	vmul.f32 v47, v28;
	v28 =	vmul.f32 v44, v34;
	v34 =	vmovc v27;
	v57 =	vld [tilespmem:s30+$0xA370];
	v59 =	vadd.f32 v48, v49  }
0x232: {  	v36 =	vmul.f32 v44, v36;
	s26 =	sshra.s32 s0, $0x2;
	v39 =	vadd.f32 v39, v9;
	v27 =	vmovc v22;
	v25 =	vld [tilespmem:s30+$0xA360];
	v47 =	vadd.f32 v56, v54  }
0x233: {  	v44 =	vmul.f32 v44, v52;
	v41 =	vmul.f32 v58, v41;
	v9 =	vld [tilespmem:s26+$0xA3B0];
	v28 =	vadd.f32 v28, v46;
	[tilespmem:s20+$0x163B0] =	vst v59  }
0x234: {  	v29 =	vmovc v21;
	v22 =	vmov v18;
	v49 =	vadd.f32 v51, v50;
	v48 =	vld [tilespmem:s26+$0xA390];
	v36 =	vadd.f32 v36, v55;
	[tilespmem:s20+$0x16390] =	vst v47  }
0x235: {  	v45 =	vadd.f32 v53, v45;
	v41 =	vmul.f32 v41, v58;
	v50 =	vld [tilespmem:s26+$0xA350];
	v44 =	vadd.f32 v44, v16;
	[tilespmem:s20+$0x16370] =	vst v28  }
0x236: {  	v21 =	vmovc v12;
	v37 =	vadd.f32 v37, v40;
	v46 =	vadd.f32 v39, v43;
	v16 =	vld [tilespmem:s26+$0xA3A0];
	s0 =	spop (v2sf);
	[tilespmem:s20+$0x16380] =	vst v49;
	v18 =	vmov v57  }
0x237: {  	v12 =	vmovc v5;
	v40 =	vmul.f32 v3, v4;
	v49 =	vsub.f32 $1.500000000e+00, v41;
	v28 =	vld [tilespmem:s26+$0xA380];
	v47 =	vmul.f32 v57, v18;
	s0 =	smax.f32 s0, $9.999999960e-13;
	[tilespmem:s20+$0x16360] =	vst v45  }
.Ltmp3:
0x238: {  	v41 =	vmul.f32 v25, v25;
	v3 =	vld [tilespmem:s26+$0xA340];
	v39 =	vmul.f32 v9, v9;
	v5, _, _ =	vpop (xrf2);
	v45 =	vmov s0;
	[tilespmem:s20+$0x163A0] =	vst v37;
	(pc) =	sbr.rel @p0 .LBB2_8-.Ltmp3, $4  }
0x239: {  	v51 =	vadd.f32 v38, v40;
	(v2sf) =	vpush v5, $0xF;
	v38 =	vshra.s32 v45, $0x1;
	[tilespmem:s20+$0x16350] =	vst v36;
	v5 =	vmovc v48;
	v36 =	vmovc v19  }
0x23a: {  	v19 =	vmovc v11;
	v43 =	vmul.f32 v48, v5;
	v48 =	vadd.f32 v47, v41;
	v41 =	vmul.f32 $5.000000000e-01, v45;
	[tilespmem:s20+$0x16340] =	vst v44;
	s20 =	smov.u32 s17;
	s17 =	smov.u32 s15;
	s15 =	smov.u32 s3  }
0x23b: {  	v11 =	vmovc v2;
	v2 =	vmovc v0;
	v47 =	vsub.s32 $0x5F3759DF, v38;
	v44 =	vmul.f32 v49, v58;
	v0 =	vmov v50;
	s3 =	smov.u32 s30;
	s30 =	smov.u32 s26;
	v40 =	vld [tilespmem:s20+$0xE3A0]  }
0x23c: {  	v37 =	vmovc v42;
	v38 =	vmul.f32 v50, v0;
	v49 =	vadd.f32 v48, v51;
	v48 =	vmul.f32 v47, v41;
	v45 =	vld [tilespmem:s20+$0xE360]  }
0x23d: {  	v50 =	vld [tilespmem:s20+$0xE3B0]  }
0x23e: {  	v51 =	vld [tilespmem:s20+$0xE390]  }
0x23f: {  	v60 =	vld [tilespmem:s20+$0xE370];
	v46 =	vadd.f32 v46, v49  }
0x240: {  	v52 =	vmul.f32 v44, v33;
	v53 =	vld [tilespmem:s20+$0xE350];
	v35 =	vmul.f32 v44, v35  }
0x241: {  	v33 =	vld [tilespmem:s30+$0xA370];
	v62 =	vmul.f32 v44, v31;
	v37 =	vmul.f32 v44, v37;
	(xrf2) =	vadd.scan.msk.f32 $0xffff, v46  }
0x242: {  	v31 =	vld [tilespmem:s30+$0xA360];
	v32 =	vmul.f32 v44, v32;
	v48 =	vmul.f32 v47, v48  }
0x243: {  	v42 =	vld [tilespmem:s20+$0xE380];
	v34 =	vmul.f32 v44, v34;
	v63 =	vmul.f32 v28, v28;
	v37 =	vadd.f32 v37, v40  }
0x244: {  	v36 =	vmul.f32 v44, v36;
	v48 =	vsub.f32 $1.500000000e+00, v48;
	v32 =	vadd.f32 v32, v45  }
0x245: {  	v61 =	vld [tilespmem:s20+$0xE340];
	v30 =	vmul.f32 v44, v30;
	v50 =	vadd.f32 v52, v50;
	v35 =	vadd.f32 v35, v51;
	[tilespmem:s20+$0x163A0] =	vst v37  }
0x246: {  	v34 =	vadd.f32 v34, v60;
	v48 =	vmul.f32 v47, v48;
	v52 =	vmul.f32 v3, v3;
	[tilespmem:s20+$0x16360] =	vst v32  }
0x247: {  	v36 =	vadd.f32 v36, v53;
	v53 =	vmul.f32 v33, v33;
	v54 =	vmul.f32 v31, v31;
	[tilespmem:s20+$0x163B0] =	vst v50  }
0x248: {  	v55 =	vadd.f32 v43, v63;
	v42 =	vadd.f32 v62, v42;
	[tilespmem:s20+$0x16390] =	vst v35;
	v50 =	vmul.f32 v16, v16  }
0x249: {  	[tilespmem:s20+$0x16370] =	vst v34;
	v51 =	vmul.f32 v48, v41;
	v38 =	vadd.f32 v38, v52;
	v32 =	vadd.f32 v53, v54  }
0x24a: {  	v30 =	vadd.f32 v30, v61;
	[tilespmem:s20+$0x16380] =	vst v42;
	v34 =	vadd.f32 v39, v50  }
0x24b: {  	[tilespmem:s20+$0x16350] =	vst v36;
	v56 =	vmul.f32 v51, v48;
	v32 =	vadd.f32 v32, v38;
	v57, _, _ =	vpop (xrf2)  }
0x24c: {  	[tilespmem:s20+$0x16340] =	vst v30;
	s0 =	spop (v2sf);
	v34 =	vadd.f32 v34, v55;
	(v2sf) =	vpush v57, $0xF  }
0x24d: {  	v60 =	vld [tilespmem:s17+$0xE3B0];
	v30 =	vsub.f32 $1.500000000e+00, v56;
	s0 =	smax.f32 s0, $9.999999960e-13  }
0x24e: {  	v62 =	vld [tilespmem:s17+$0xE390];
	v59 =	vmov s0;
	v32 =	vadd.f32 v34, v32  }
0x24f: {  	v63 =	vld [tilespmem:s17+$0xE370];
	v30 =	vmul.f32 v30, v48;
	v61 =	vshra.s32 v59, $0x1;
	v37 =	vmul.f32 $5.000000000e-01, v59  }
0x250: {  	v46 =	vld [tilespmem:s17+$0xE380];
	v39 =	vsub.s32 $0x5F3759DF, v61;
	(xrf2) =	vadd.scan.msk.f32 $0xffff, v32  }
0x251: {  	v49 =	vld [tilespmem:s17+$0xE350];
	v26 =	vmul.f32 v30, v26;
	v45 =	vmul.f32 v39, v37  }
0x252: {  	v47 =	vld [tilespmem:s17+$0xE360];
	v29 =	vmul.f32 v30, v29  }
0x253: {  	v27 =	vmul.f32 v30, v27;
	v26 =	vadd.f32 v26, v60;
	v48 =	vmul.f32 v39, v45  }
0x254: {  	v58 =	vld [tilespmem:s17+$0xE3A0];
	v23 =	vmul.f32 v30, v23;
	v19 =	vmul.f32 v30, v19;
	v29 =	vadd.f32 v29, v62  }
0x255: {  	v50 =	vld [tilespmem:s17+$0xE340];
	v24 =	vmul.f32 v30, v24;
	v27 =	vadd.f32 v27, v63;
	[tilespmem:s17+$0x163B0] =	vst v26;
	v32 =	vsub.f32 $1.500000000e+00, v48  }
0x256: {  	v23 =	vadd.f32 v23, v46;
	v19 =	vadd.f32 v19, v49;
	[tilespmem:s17+$0x16390] =	vst v29  }
0x257: {  	v20 =	vmul.f32 v30, v20;
	v24 =	vadd.f32 v24, v47;
	[tilespmem:s17+$0x16370] =	vst v27;
	v26 =	vmul.f32 v39, v32  }
0x258: {  	v17 =	vmul.f32 v30, v17;
	[tilespmem:s17+$0x16380] =	vst v23  }
0x259: {  	v20 =	vadd.f32 v20, v58;
	[tilespmem:s17+$0x16360] =	vst v24;
	v23 =	vmul.f32 v26, v37  }
0x25a: {  	v17 =	vadd.f32 v17, v50;
	[tilespmem:s17+$0x16350] =	vst v19;
	v19, _, _ =	vpop (xrf2)  }
0x25b: {  	[tilespmem:s17+$0x163A0] =	vst v20;
	v20 =	vmul.f32 v23, v26;
	s22 =	spop (v2sf);
	(v2sf) =	vpush v19, $0xF  }
0x25c: {  	[tilespmem:s17+$0x16340] =	vst v17;
	s0 =	smax.f32 s22, $9.999999960e-13  }
0x25d: {  	v27 =	vld [tilespmem:s15+$0xE370];
	v17 =	vsub.f32 $1.500000000e+00, v20;
	v20 =	vmov s0  }
0x25e: {  	v23 =	vld [tilespmem:s15+$0xE3B0];
	v24 =	vshra.s32 v20, $0x1;
	v20 =	vmul.f32 $5.000000000e-01, v20  }
0x25f: {  	v17 =	vmul.f32 v17, v26;
	v26 =	vld [tilespmem:s15+$0xE390];
	v24 =	vsub.s32 $0x5F3759DF, v24  }
0x260: {  	v30 =	vld [tilespmem:s15+$0xE380];
	v29 =	vmul.f32 v24, v20  }
0x261: {  	v51 =	vld [tilespmem:s15+$0xE360];
	v15 =	vmul.f32 v17, v15;
	v22 =	vmul.f32 v17, v22  }
0x262: {  	v19 =	vld [tilespmem:s15+$0xE3A0];
	v21 =	vmul.f32 v17, v21;
	v29 =	vmul.f32 v24, v29  }
0x263: {  	v52 =	vld [tilespmem:s15+$0xE350];
	v13 =	vmul.f32 v17, v13;
	v15 =	vadd.f32 v15, v23;
	v22 =	vadd.f32 v22, v27  }
0x264: {  	v14 =	vmul.f32 v17, v14;
	v21 =	vadd.f32 v21, v26;
	v26 =	vsub.f32 $1.500000000e+00, v29  }
0x265: {  	v10 =	vmul.f32 v17, v10;
	v23 =	vld [tilespmem:s15+$0xE340];
	v13 =	vadd.f32 v13, v30;
	[tilespmem:s15+$0x163B0] =	vst v15  }
0x266: {  	v11 =	vmul.f32 v17, v11;
	v14 =	vadd.f32 v14, v51;
	[tilespmem:s15+$0x16370] =	vst v22;
	v15 =	vmul.f32 v24, v26  }
0x267: {  	v10 =	vadd.f32 v10, v19;
	[tilespmem:s15+$0x16380] =	vst v13  }
0x268: {  	v7 =	vmul.f32 v17, v7;
	v11 =	vadd.f32 v11, v52;
	[tilespmem:s15+$0x16360] =	vst v14;
	v13 =	vmul.f32 v15, v20  }
0x269: {  	[tilespmem:s15+$0x163A0] =	vst v10  }
0x26a: {  	[tilespmem:s15+$0x16350] =	vst v11;
	v7 =	vadd.f32 v7, v23;
	v10 =	vmul.f32 v13, v15;
	s26 =	spop (v2sf)  }
0x26b: {  	[tilespmem:s15+$0x16390] =	vst v21;
	s0 =	smax.f32 s26, $9.999999960e-13  }
0x26c: {  	[tilespmem:s15+$0x16340] =	vst v7;
	v7 =	vsub.f32 $1.500000000e+00, v10;
	v11 =	vmov s0  }
0x26d: {  	v13 =	vld [tilespmem:s3+$0xE3B0];
	v14 =	vshra.s32 v11, $0x1;
	v11 =	vmul.f32 $5.000000000e-01, v11  }
0x26e: {  	v17 =	vld [tilespmem:s3+$0xE370];
	v7 =	vmul.f32 v7, v15;
	v14 =	vsub.s32 $0x5F3759DF, v14  }
0x26f: {  	v20 =	vld [tilespmem:s3+$0xE380];
	v19 =	vmul.f32 v14, v11  }
0x270: {  	v10 =	vld [tilespmem:s3+$0xE3A0];
	v8 =	vmul.f32 v7, v8  }
0x271: {  	v15 =	vld [tilespmem:s3+$0xE390];
	v18 =	vmul.f32 v7, v18;
	v19 =	vmul.f32 v14, v19  }
0x272: {  	v22 =	vld [tilespmem:s3+$0xE350];
	v6 =	vmul.f32 v7, v6;
	v8 =	vadd.f32 v8, v13  }
0x273: {  	v21 =	vld [tilespmem:s3+$0xE360];
	v1 =	vmul.f32 v7, v1;
	v17 =	vadd.f32 v18, v17;
	v19 =	vsub.f32 $1.500000000e+00, v19  }
0x274: {  	v12 =	vmul.f32 v7, v12;
	v13 =	vld [tilespmem:s3+$0xE340];
	v6 =	vadd.f32 v6, v20;
	[tilespmem:s3+$0x163B0] =	vst v8  }
0x275: {  	v2 =	vmul.f32 v7, v2;
	v1 =	vadd.f32 v1, v10;
	[tilespmem:s3+$0x16370] =	vst v17;
	v8 =	vmul.f32 v14, v19  }
0x276: {  	v12 =	vadd.f32 v12, v15;
	v15 =	vmul.f32 v7, v25;
	[tilespmem:s3+$0x16380] =	vst v6  }
0x277: {  	v4 =	vmul.f32 v7, v4;
	v2 =	vadd.f32 v2, v22;
	[tilespmem:s3+$0x163A0] =	vst v1;
	v6 =	vmul.f32 v8, v11  }
0x278: {  	[tilespmem:s3+$0x16390] =	vst v12;
	v12 =	vadd.f32 v15, v21  }
0x279: {  	[tilespmem:s3+$0x16350] =	vst v2;
	v4 =	vadd.f32 v4, v13;
	v1 =	vmul.f32 v6, v8  }
0x27a: {  	[tilespmem:s3+$0x16360] =	vst v12  }
0x27b: {  	[tilespmem:s3+$0x16340] =	vst v4;
	v1 =	vsub.f32 $1.500000000e+00, v1  }
0x27c: {  	v4 =	vld [tilespmem:s30+$0xE3B0]  }
0x27d: {  	v6 =	vld [tilespmem:s30+$0xE390];
	v1 =	vmul.f32 v1, v8  }
0x27e: {  	v7 =	vld [tilespmem:s30+$0xE370]  }
0x27f: {  	v11 =	vld [tilespmem:s30+$0xE350];
	v9 =	vmul.f32 v1, v9  }
0x280: {  	v8 =	vld [tilespmem:s30+$0xE380];
	v5 =	vmul.f32 v1, v5  }
0x281: {  	v10 =	vld [tilespmem:s30+$0xE360];
	v12 =	vmul.f32 v1, v33;
	v4 =	vadd.f32 v9, v4  }
0x282: {  	v2 =	vld [tilespmem:s30+$0xE3A0];
	v0 =	vmul.f32 v1, v0;
	v5 =	vadd.f32 v5, v6  }
0x283: {  	v13 =	vmul.f32 v1, v28;
	v9 =	vld [tilespmem:s30+$0xE340];
	v7 =	vadd.f32 v12, v7;
	[tilespmem:s30+$0x163B0] =	vst v4  }
0x284: {  	v6 =	vmul.f32 v1, v31;
	v0 =	vadd.f32 v0, v11;
	[tilespmem:s30+$0x16390] =	vst v5  }
0x285: {  	v8 =	vadd.f32 v13, v8;
	v4 =	vmul.f32 v1, v16;
	[tilespmem:s30+$0x16370] =	vst v7  }
0x286: {  	v5 =	vadd.f32 v6, v10;
	v1 =	vmul.f32 v1, v3;
	[tilespmem:s30+$0x16350] =	vst v0  }
0x287: {  	[tilespmem:s30+$0x16380] =	vst v8;
	v2 =	vadd.f32 v4, v2  }
0x288: {  	[tilespmem:s30+$0x16360] =	vst v5;
	v1 =	vadd.f32 v1, v9  }
0x289: {  	[tilespmem:s30+$0x163A0] =	vst v2  }
0x28a: {  	s20 =	simm.s32 $0x16340;
	s17 =	simm.s32 $0x0;
	[tilespmem:s30+$0x16340] =	vst v1  }
0x28b: {  	[hbm4b:s11+s17] =	stream.linear.scatter [tilespmem:s20], [sflag:$0x6], $0x4000, $0x38;
	[tilespmem:$0x1E340] =	vst v63  }
0x28c: {  	_ =	swait.ge [sflag:s23], $0x4000  }
0x28d: {  	[sflag:s23] =	ssyncset.done $0x0  }
0x28e: {  	[sflag:s23] =	ssyncadd.s32 $0xFFFFC000  }
0x28f: {  	_ =	swait.ge [sflag:s31], $0x4000  }
0x290: {  	[sflag:s31] =	ssyncset.done $0x0  }
0x291: {  	[sflag:s31] =	ssyncadd.s32 $0xFFFFC000  }
0x292: {  	_ =	swait.ge [sflag:s24], $0x4000  }
0x293: {  	[sflag:s24] =	ssyncset.done $0x0  }
0x294: {  	s20 =	simm.s32 $0x0;
	[sflag:s24] =	ssyncadd.s32 $0xFFFFC000  }
0x295: {  	v33 =	vld [tilespmem:s20+$0x23B0]  }
0x296: {  	v35 =	vld [tilespmem:s20+$0x2390]  }
0x297: {  	v36 =	vld [tilespmem:s20+$0x2350]  }
0x298: {  	v37 =	vld [tilespmem:s20+$0x23A0]  }
0x299: {  	v31 =	vld [tilespmem:s20+$0x2380]  }
0x29a: {  	v30 =	vld [tilespmem:s20+$0x2340]  }
0x29b: {  	v34 =	vld [tilespmem:s20+$0x2370]  }
0x29c: {  	v32 =	vld [tilespmem:s20+$0x2360];
	_ =	sdelay $0x1  }
0x29d: {  	v0 =	vmul.f32 v33, v33;
	v1 =	vmul.f32 v35, v35  }
0x29e: {  	v2 =	vmul.f32 v36, v36;
	v3 =	vmul.f32 v31, v31  }
0x29f: {  	v4 =	vmul.f32 v37, v37;
	v5 =	vmul.f32 v30, v30  }
0x2a0: {  	v6 =	vmul.f32 v34, v34;
	v7 =	vmul.f32 v32, v32  }
0x2a1: {  	v1 =	vadd.f32 v1, v3;
	v0 =	vadd.f32 v0, v4  }
0x2a2: {  	v2 =	vadd.f32 v2, v5;
	v3 =	vadd.f32 v6, v7  }
0x2a3: {  	s17 =	simm.s32 $0x80  }
0x2a4: {  	v26 =	vld [tilespmem:s17+$0x23B0];
	v0 =	vadd.f32 v0, v1;
	v1 =	vadd.f32 v3, v2  }
0x2a5: {  	v29 =	vld [tilespmem:s17+$0x2390]  }
0x2a6: {  	v20 =	vld [tilespmem:s17+$0x23A0];
	v0 =	vadd.f32 v0, v1  }
0x2a7: {  	v23 =	vld [tilespmem:s17+$0x2380]  }
0x2a8: {  	v17 =	vld [tilespmem:s17+$0x2340];
	(xrf2) =	vadd.scan.msk.f32 $0xffff, v0  }
0x2a9: {  	v27 =	vld [tilespmem:s17+$0x2370]  }
0x2aa: {  	v19 =	vld [tilespmem:s17+$0x2350]  }
0x2ab: {  	v24 =	vld [tilespmem:s17+$0x2360];
	_ =	sdelay $0x1  }
0x2ac: {  	v4 =	vmul.f32 v20, v20;
	v5 =	vmul.f32 v17, v17  }
0x2ad: {  	v6 =	vmul.f32 v27, v27;
	v3 =	vmul.f32 v23, v23  }
0x2ae: {  	v2 =	vmul.f32 v19, v19;
	v1 =	vmul.f32 v29, v29  }
0x2af: {  	v7 =	vmul.f32 v24, v24;
	v0 =	vmul.f32 v26, v26  }
0x2b0: {  	v2 =	vadd.f32 v2, v5;
	v1 =	vadd.f32 v1, v3  }
0x2b1: {  	v0 =	vadd.f32 v0, v4;
	v4 =	vadd.f32 v6, v7;
	v3, _, _ =	vpop (xrf2)  }
0x2b2: {  	(v2sf) =	vpush v3, $0xF  }
0x2b3: {  	v0 =	vadd.f32 v0, v1;
	v1 =	vadd.f32 v4, v2  }
0x2b4: {  	s15 =	simm.s32 $0x100  }
0x2b5: {  	v15 =	vld [tilespmem:s15+$0x23B0];
	v0 =	vadd.f32 v0, v1  }
0x2b6: {  	v21 =	vld [tilespmem:s15+$0x2390]  }
0x2b7: {  	v11 =	vld [tilespmem:s15+$0x2350];
	(xrf2) =	vadd.scan.msk.f32 $0xffff, v0  }
0x2b8: {  	v10 =	vld [tilespmem:s15+$0x23A0]  }
0x2b9: {  	v14 =	vld [tilespmem:s15+$0x2360]  }
0x2ba: {  	v13 =	vld [tilespmem:s15+$0x2380]  }
0x2bb: {  	v7 =	vld [tilespmem:s15+$0x2340]  }
0x2bc: {  	v22 =	vld [tilespmem:s15+$0x2370]  }
0x2bd: {  	v4 =	vmul.f32 v10, v10  }
0x2be: {  	v6 =	vmul.f32 v14, v14;
	v1 =	vmul.f32 v21, v21  }
0x2bf: {  	v0 =	vmul.f32 v15, v15;
	v3 =	vmul.f32 v13, v13  }
0x2c0: {  	v2 =	vmul.f32 v11, v11;
	v5 =	vmul.f32 v7, v7  }
0x2c1: {  	v0 =	vadd.f32 v0, v4;
	v1 =	vadd.f32 v1, v3;
	v3 =	vmul.f32 v22, v22;
	v4, _, _ =	vpop (xrf2);
	s22 =	spop (v2sf)  }
0x2c2: {  	v2 =	vadd.f32 v2, v5;
	(v2sf) =	vpush v4, $0xF;
	s0 =	smax.f32 s22, $9.999999960e-13  }
0x2c3: {  	v3 =	vadd.f32 v3, v6;
	v0 =	vadd.f32 v0, v1;
	v1 =	vmov s0  }
0x2c4: {  	s3 =	simm.s32 $0x180;
	v4 =	vshra.s32 v1, $0x1;
	v5 =	vmul.f32 $5.000000000e-01, v1  }
0x2c5: {  	v8 =	vld [tilespmem:s3+$0x23B0];
	v1 =	vadd.f32 v3, v2;
	v3 =	vsub.s32 $0x5F3759DF, v4  }
0x2c6: {  	v12 =	vld [tilespmem:s3+$0x2390];
	v2 =	vmul.f32 v3, v5  }
0x2c7: {  	v6 =	vld [tilespmem:s3+$0x2380];
	v0 =	vadd.f32 v0, v1  }
0x2c8: {  	v1 =	vld [tilespmem:s3+$0x23A0];
	v9 =	vmul.f32 v3, v2  }
0x2c9: {  	v18 =	vld [tilespmem:s3+$0x2370];
	(xrf2) =	vadd.scan.msk.f32 $0xffff, v0  }
0x2ca: {  	v25 =	vld [tilespmem:s3+$0x2360];
	v0 =	vsub.f32 $1.500000000e+00, v9  }
0x2cb: {  	v16 =	vmul.f32 v8, v8;
	v4 =	vld [tilespmem:s3+$0x2340]  }
0x2cc: {  	v28 =	vmul.f32 v12, v12;
	v2 =	vld [tilespmem:s3+$0x2350];
	v53 =	vmul.f32 v3, v0  }
0x2cd: {  	s30 =	simm.s32 $0x200;
	v0 =	vmul.f32 v6, v6;
	v3 =	vmul.f32 v1, v1  }
0x2ce: {  	v9 =	vld [tilespmem:s30+$0x23B0];
	v54 =	vmul.f32 v53, v5  }
0x2cf: {  	v56 =	vmul.f32 v18, v18;
	v28 =	vadd.f32 v28, v0;
	v3 =	vadd.f32 v16, v3;
	v5 =	vld [tilespmem:s30+$0x2390]  }
0x2d0: {  	v58 =	vmul.f32 v25, v25;
	v0 =	vld [tilespmem:s30+$0x2350];
	v39 =	vmul.f32 v54, v53  }
0x2d1: {  	v55 =	vmul.f32 v2, v2;
	v46 =	vadd.f32 v3, v28;
	s26 =	spop (v2sf);
	v3 =	vmul.f32 v4, v4  }
0x2d2: {  	v63 =	vadd.f32 v56, v58;
	v16 =	vld [tilespmem:s30+$0x23A0];
	s0 =	smax.f32 s26, $9.999999960e-13;
	v57 =	vsub.f32 $1.500000000e+00, v39  }
0x2d3: {  	v28 =	vld [tilespmem:s30+$0x2380];
	v39 =	vmul.f32 v9, v9;
	v59, _, _ =	vpop (xrf2);
	v60 =	vmov s0;
	v61 =	vadd.f32 v55, v3  }
0x2d4: {  	v40 =	vld [tilespmem:s20+$0x123A0];
	(v2sf) =	vpush v59, $0xF;
	v62 =	vshra.s32 v60, $0x1;
	v41 =	vmul.f32 $5.000000000e-01, v60  }
0x2d5: {  	v3 =	vld [tilespmem:s30+$0x2340];
	v43 =	vmul.f32 v5, v5;
	v38 =	vmul.f32 v0, v0;
	v47 =	vsub.s32 $0x5F3759DF, v62  }
0x2d6: {  	v45 =	vld [tilespmem:s20+$0x12360];
	s22 =	simm.s32 $0xA00;
	v44 =	vmul.f32 v57, v53;
	v49 =	vadd.f32 v63, v61;
	v48 =	vmul.f32 v47, v41  }
.LBB2_10:
0x2d7: {  	v42 =	vmovc v20;
	v20 =	vmovc v10;
	v10 =	vmov v1;
	v1 =	vmov v16;
	v51 =	vmov v31  }
0x2d8: {  	p0 =	sne.s32 s22, $0xFE00;
	v50 =	vld [tilespmem:s20+$0x12380];
	v31 =	vmovc v23;
	v23 =	vmovc v13;
	v13 =	vmov v6;
	v6 =	vmov v28;
	v52 =	vmov v30;
	s0 =	smov.u32 s22;
	s22 =	sadd.s32 $0x200, s22  }
0x2d9: {  	v30 =	vmovc v17;
	v17 =	vmovc v7;
	v7 =	vmov v4;
	v46 =	vadd.f32 v46, v49;
	v48 =	vmul.f32 v47, v48;
	v49 =	vld [tilespmem:s20+$0x123B0]  }
0x2da: {  	v53 =	vmul.f32 v44, v32;
	v32 =	vmovc v24;
	v24 =	vmovc v14;
	v14 =	vmov v25;
	v4 =	vmov v3;
	v54 =	vld [tilespmem:s20+$0x12390]  }
0x2db: {  	v25 =	vmul.f32 v28, v6;
	(xrf2) =	vadd.scan.msk.f32 $0xffff, v46;
	v28 =	vsub.f32 $1.500000000e+00, v48;
	v46 =	vld [tilespmem:s20+$0x12370];
	v48 =	vmul.f32 v44, v33;
	v33 =	vmovc v26  }
0x2dc: {  	v56 =	vmul.f32 v44, v35;
	v37 =	vmul.f32 v44, v37;
	v26 =	vmovc v15;
	v15 =	vmovc v8;
	v8 =	vmov v9;
	v55 =	vld [tilespmem:s20+$0x12350]  }
0x2dd: {  	v35 =	vmovc v29;
	v51 =	vmul.f32 v44, v51;
	v9 =	vmul.f32 v16, v1;
	v43 =	vadd.f32 v43, v25;
	v16 =	vld [tilespmem:s20+$0x12340]  }
0x2de: {  	v58 =	vmul.f32 v47, v28;
	v28 =	vmul.f32 v44, v34;
	v34 =	vmovc v27;
	v57 =	vld [tilespmem:s30+$0x2370];
	v59 =	vadd.f32 v48, v49  }
0x2df: {  	v36 =	vmul.f32 v44, v36;
	s26 =	sshra.s32 s0, $0x2;
	v39 =	vadd.f32 v39, v9;
	v27 =	vmovc v22;
	v25 =	vld [tilespmem:s30+$0x2360];
	v47 =	vadd.f32 v56, v54  }
0x2e0: {  	v44 =	vmul.f32 v44, v52;
	v41 =	vmul.f32 v58, v41;
	v9 =	vld [tilespmem:s26+$0x23B0];
	v28 =	vadd.f32 v28, v46;
	[tilespmem:s20+$0x1A3B0] =	vst v59  }
0x2e1: {  	v29 =	vmovc v21;
	v22 =	vmov v18;
	v49 =	vadd.f32 v51, v50;
	v48 =	vld [tilespmem:s26+$0x2390];
	v36 =	vadd.f32 v36, v55;
	[tilespmem:s20+$0x1A390] =	vst v47  }
0x2e2: {  	v45 =	vadd.f32 v53, v45;
	v41 =	vmul.f32 v41, v58;
	v50 =	vld [tilespmem:s26+$0x2350];
	v44 =	vadd.f32 v44, v16;
	[tilespmem:s20+$0x1A370] =	vst v28  }
0x2e3: {  	v21 =	vmovc v12;
	v37 =	vadd.f32 v37, v40;
	v46 =	vadd.f32 v39, v43;
	v16 =	vld [tilespmem:s26+$0x23A0];
	s0 =	spop (v2sf);
	[tilespmem:s20+$0x1A380] =	vst v49;
	v18 =	vmov v57  }
0x2e4: {  	v12 =	vmovc v5;
	v40 =	vmul.f32 v3, v4;
	v49 =	vsub.f32 $1.500000000e+00, v41;
	v28 =	vld [tilespmem:s26+$0x2380];
	v47 =	vmul.f32 v57, v18;
	s0 =	smax.f32 s0, $9.999999960e-13;
	[tilespmem:s20+$0x1A360] =	vst v45  }
.Ltmp4:
0x2e5: {  	v41 =	vmul.f32 v25, v25;
	v3 =	vld [tilespmem:s26+$0x2340];
	v39 =	vmul.f32 v9, v9;
	v5, _, _ =	vpop (xrf2);
	v45 =	vmov s0;
	[tilespmem:s20+$0x1A3A0] =	vst v37;
	(pc) =	sbr.rel @p0 .LBB2_10-.Ltmp4, $4  }
0x2e6: {  	v51 =	vadd.f32 v38, v40;
	(v2sf) =	vpush v5, $0xF;
	v38 =	vshra.s32 v45, $0x1;
	[tilespmem:s20+$0x1A350] =	vst v36;
	v5 =	vmovc v48;
	v36 =	vmovc v19  }
0x2e7: {  	v19 =	vmovc v11;
	v43 =	vmul.f32 v48, v5;
	v48 =	vadd.f32 v47, v41;
	v41 =	vmul.f32 $5.000000000e-01, v45;
	[tilespmem:s20+$0x1A340] =	vst v44;
	s20 =	smov.u32 s17;
	s17 =	smov.u32 s15;
	s15 =	smov.u32 s3  }
0x2e8: {  	v11 =	vmovc v2;
	v2 =	vmovc v0;
	v47 =	vsub.s32 $0x5F3759DF, v38;
	v44 =	vmul.f32 v49, v58;
	v0 =	vmov v50;
	s3 =	smov.u32 s30;
	s30 =	smov.u32 s26;
	v40 =	vld [tilespmem:s20+$0x123A0]  }
0x2e9: {  	v37 =	vmovc v42;
	v38 =	vmul.f32 v50, v0;
	v49 =	vadd.f32 v48, v51;
	v48 =	vmul.f32 v47, v41;
	v45 =	vld [tilespmem:s20+$0x12360]  }
0x2ea: {  	v42 =	vld [tilespmem:s20+$0x12380]  }
0x2eb: {  	v50 =	vld [tilespmem:s20+$0x123B0]  }
0x2ec: {  	v51 =	vld [tilespmem:s20+$0x12390];
	v46 =	vadd.f32 v46, v49  }
0x2ed: {  	v59 =	vld [tilespmem:s20+$0x12370];
	v52 =	vmul.f32 v44, v33  }
0x2ee: {  	v53 =	vld [tilespmem:s20+$0x12350];
	v35 =	vmul.f32 v44, v35;
	v34 =	vmul.f32 v44, v34;
	(xrf2) =	vadd.scan.msk.f32 $0xffff, v46  }
0x2ef: {  	v33 =	vld [tilespmem:s30+$0x2370];
	v37 =	vmul.f32 v44, v37;
	v48 =	vmul.f32 v47, v48  }
0x2f0: {  	v61 =	vmul.f32 v44, v31;
	v31 =	vld [tilespmem:s30+$0x2360];
	v32 =	vmul.f32 v44, v32  }
0x2f1: {  	v62 =	vmul.f32 v28, v28;
	v48 =	vsub.f32 $1.500000000e+00, v48;
	v37 =	vadd.f32 v37, v40  }
0x2f2: {  	v36 =	vmul.f32 v44, v36;
	v32 =	vadd.f32 v32, v45;
	v50 =	vadd.f32 v52, v50  }
0x2f3: {  	v60 =	vld [tilespmem:s20+$0x12340];
	v45 =	vmul.f32 v16, v16;
	v35 =	vadd.f32 v35, v51;
	v34 =	vadd.f32 v34, v59  }
0x2f4: {  	v42 =	vadd.f32 v61, v42;
	v63 =	vmul.f32 v47, v48;
	v48 =	vmul.f32 v3, v3;
	[tilespmem:s20+$0x1A3A0] =	vst v37  }
0x2f5: {  	v36 =	vadd.f32 v36, v53;
	v51 =	vmul.f32 v31, v31;
	[tilespmem:s20+$0x1A3B0] =	vst v50;
	v50 =	vmul.f32 v33, v33  }
0x2f6: {  	v30 =	vmul.f32 v44, v30;
	v52 =	vadd.f32 v43, v62;
	[tilespmem:s20+$0x1A370] =	vst v34;
	v34 =	vadd.f32 v39, v45  }
0x2f7: {  	[tilespmem:s20+$0x1A360] =	vst v32;
	v47 =	vmul.f32 v63, v41;
	v38 =	vadd.f32 v38, v48;
	v32 =	vadd.f32 v50, v51  }
0x2f8: {  	v30 =	vadd.f32 v30, v60;
	[tilespmem:s20+$0x1A390] =	vst v35;
	v34 =	vadd.f32 v34, v52;
	v54, _, _ =	vpop (xrf2)  }
0x2f9: {  	[tilespmem:s20+$0x1A380] =	vst v42;
	v53 =	vmul.f32 v47, v63;
	s0 =	spop (v2sf);
	v32 =	vadd.f32 v32, v38;
	(v2sf) =	vpush v54, $0xF  }
0x2fa: {  	[tilespmem:s20+$0x1A350] =	vst v36;
	s0 =	smax.f32 s0, $9.999999960e-13  }
0x2fb: {  	[tilespmem:s20+$0x1A340] =	vst v30;
	v55 =	vsub.f32 $1.500000000e+00, v53;
	v57 =	vmov s0;
	v32 =	vadd.f32 v34, v32  }
0x2fc: {  	v58 =	vld [tilespmem:s17+$0x123B0];
	v59 =	vshra.s32 v57, $0x1;
	v37 =	vmul.f32 $5.000000000e-01, v57  }
0x2fd: {  	v60 =	vld [tilespmem:s17+$0x12390];
	v30 =	vmul.f32 v55, v63;
	v39 =	vsub.s32 $0x5F3759DF, v59;
	(xrf2) =	vadd.scan.msk.f32 $0xffff, v32  }
0x2fe: {  	v61 =	vld [tilespmem:s17+$0x12370];
	v62 =	vmul.f32 v39, v37  }
0x2ff: {  	v45 =	vld [tilespmem:s17+$0x12360];
	v26 =	vmul.f32 v30, v26  }
0x300: {  	v56 =	vld [tilespmem:s17+$0x123A0];
	v29 =	vmul.f32 v30, v29;
	v46 =	vmul.f32 v39, v62  }
0x301: {  	v47 =	vld [tilespmem:s17+$0x12350];
	v27 =	vmul.f32 v30, v27;
	v26 =	vadd.f32 v26, v58  }
0x302: {  	v48 =	vld [tilespmem:s17+$0x12340];
	v24 =	vmul.f32 v30, v24;
	v29 =	vadd.f32 v29, v60;
	v32 =	vsub.f32 $1.500000000e+00, v46  }
0x303: {  	v63 =	vld [tilespmem:s17+$0x12380];
	v20 =	vmul.f32 v30, v20;
	v27 =	vadd.f32 v27, v61;
	[tilespmem:s17+$0x1A3B0] =	vst v26  }
0x304: {  	v19 =	vmul.f32 v30, v19;
	v24 =	vadd.f32 v24, v45;
	[tilespmem:s17+$0x1A390] =	vst v29;
	v49 =	vmul.f32 v39, v32  }
0x305: {  	v17 =	vmul.f32 v30, v17;
	v20 =	vadd.f32 v20, v56;
	[tilespmem:s17+$0x1A370] =	vst v27  }
0x306: {  	v23 =	vmul.f32 v30, v23;
	v19 =	vadd.f32 v19, v47;
	[tilespmem:s17+$0x1A360] =	vst v24;
	v50 =	vmul.f32 v49, v37  }
0x307: {  	v17 =	vadd.f32 v17, v48;
	[tilespmem:s17+$0x1A3A0] =	vst v20;
	v52, _, _ =	vpop (xrf2)  }
0x308: {  	v23 =	vadd.f32 v23, v63;
	[tilespmem:s17+$0x1A350] =	vst v19;
	v51 =	vmul.f32 v50, v49;
	s22 =	spop (v2sf);
	(v2sf) =	vpush v52, $0xF  }
0x309: {  	[tilespmem:s17+$0x1A340] =	vst v17;
	s0 =	smax.f32 s22, $9.999999960e-13  }
0x30a: {  	[tilespmem:s17+$0x1A380] =	vst v23;
	v53 =	vsub.f32 $1.500000000e+00, v51;
	v55 =	vmov s0  }
0x30b: {  	v56 =	vld [tilespmem:s15+$0x123B0];
	v57 =	vshra.s32 v55, $0x1;
	v20 =	vmul.f32 $5.000000000e-01, v55  }
0x30c: {  	v58 =	vld [tilespmem:s15+$0x12390];
	v17 =	vmul.f32 v53, v49;
	v24 =	vsub.s32 $0x5F3759DF, v57  }
0x30d: {  	v27 =	vld [tilespmem:s15+$0x12370];
	v59 =	vmul.f32 v24, v20  }
0x30e: {  	v60 =	vld [tilespmem:s15+$0x12380];
	v15 =	vmul.f32 v17, v15  }
0x30f: {  	v61 =	vld [tilespmem:s15+$0x12360];
	v21 =	vmul.f32 v17, v21;
	v29 =	vmul.f32 v24, v59  }
0x310: {  	v54 =	vld [tilespmem:s15+$0x123A0];
	v22 =	vmul.f32 v17, v22;
	v15 =	vadd.f32 v15, v56  }
0x311: {  	v62 =	vld [tilespmem:s15+$0x12350];
	v13 =	vmul.f32 v17, v13;
	v21 =	vadd.f32 v21, v58;
	v29 =	vsub.f32 $1.500000000e+00, v29  }
0x312: {  	v63 =	vld [tilespmem:s15+$0x12340];
	v14 =	vmul.f32 v17, v14;
	v22 =	vadd.f32 v22, v27;
	[tilespmem:s15+$0x1A3B0] =	vst v15  }
0x313: {  	v10 =	vmul.f32 v17, v10;
	v13 =	vadd.f32 v13, v60;
	[tilespmem:s15+$0x1A390] =	vst v21;
	v35 =	vmul.f32 v24, v29  }
0x314: {  	v11 =	vmul.f32 v17, v11;
	v14 =	vadd.f32 v14, v61;
	[tilespmem:s15+$0x1A370] =	vst v22  }
0x315: {  	v7 =	vmul.f32 v17, v7;
	v10 =	vadd.f32 v10, v54;
	[tilespmem:s15+$0x1A380] =	vst v13;
	v36 =	vmul.f32 v35, v20  }
0x316: {  	v11 =	vadd.f32 v11, v62;
	[tilespmem:s15+$0x1A360] =	vst v14  }
0x317: {  	v7 =	vadd.f32 v7, v63;
	[tilespmem:s15+$0x1A3A0] =	vst v10;
	v37 =	vmul.f32 v36, v35;
	s26 =	spop (v2sf)  }
0x318: {  	[tilespmem:s15+$0x1A350] =	vst v11;
	s0 =	smax.f32 s26, $9.999999960e-13  }
0x319: {  	[tilespmem:s15+$0x1A340] =	vst v7;
	v38 =	vsub.f32 $1.500000000e+00, v37;
	v40 =	vmov s0  }
0x31a: {  	v41 =	vld [tilespmem:s3+$0x123B0];
	v42 =	vshra.s32 v40, $0x1;
	v11 =	vmul.f32 $5.000000000e-01, v40  }
0x31b: {  	v43 =	vld [tilespmem:s3+$0x12390];
	v7 =	vmul.f32 v38, v35;
	v14 =	vsub.s32 $0x5F3759DF, v42  }
0x31c: {  	v44 =	vld [tilespmem:s3+$0x12370];
	v45 =	vmul.f32 v14, v11  }
0x31d: {  	v46 =	vld [tilespmem:s3+$0x12380];
	v8 =	vmul.f32 v7, v8  }
0x31e: {  	v21 =	vld [tilespmem:s3+$0x12360];
	v12 =	vmul.f32 v7, v12;
	v19 =	vmul.f32 v14, v45  }
0x31f: {  	v39 =	vld [tilespmem:s3+$0x123A0];
	v18 =	vmul.f32 v7, v18;
	v8 =	vadd.f32 v8, v41  }
0x320: {  	v22 =	vld [tilespmem:s3+$0x12350];
	v6 =	vmul.f32 v7, v6;
	v12 =	vadd.f32 v12, v43;
	v19 =	vsub.f32 $1.500000000e+00, v19  }
0x321: {  	v47 =	vld [tilespmem:s3+$0x12340];
	v48 =	vmul.f32 v7, v25;
	v17 =	vadd.f32 v18, v44;
	[tilespmem:s3+$0x1A3B0] =	vst v8  }
0x322: {  	v1 =	vmul.f32 v7, v1;
	v6 =	vadd.f32 v6, v46;
	[tilespmem:s3+$0x1A390] =	vst v12;
	v49 =	vmul.f32 v14, v19  }
0x323: {  	v2 =	vmul.f32 v7, v2;
	v50 =	vadd.f32 v48, v21;
	[tilespmem:s3+$0x1A370] =	vst v17  }
0x324: {  	v4 =	vmul.f32 v7, v4;
	v1 =	vadd.f32 v1, v39;
	[tilespmem:s3+$0x1A380] =	vst v6;
	v51 =	vmul.f32 v49, v11  }
0x325: {  	v2 =	vadd.f32 v2, v22;
	[tilespmem:s3+$0x1A360] =	vst v50  }
0x326: {  	v4 =	vadd.f32 v4, v47;
	[tilespmem:s3+$0x1A3A0] =	vst v1;
	v52 =	vmul.f32 v51, v49  }
0x327: {  	[tilespmem:s3+$0x1A350] =	vst v2  }
0x328: {  	[tilespmem:s3+$0x1A340] =	vst v4;
	v1 =	vsub.f32 $1.500000000e+00, v52  }
0x329: {  	v4 =	vld [tilespmem:s30+$0x123B0]  }
0x32a: {  	v53 =	vld [tilespmem:s30+$0x12390];
	v1 =	vmul.f32 v1, v49  }
0x32b: {  	v54 =	vld [tilespmem:s30+$0x12370]  }
0x32c: {  	v55 =	vld [tilespmem:s30+$0x12380];
	v9 =	vmul.f32 v1, v9  }
0x32d: {  	v56 =	vld [tilespmem:s30+$0x12360];
	v5 =	vmul.f32 v1, v5  }
0x32e: {  	v2 =	vld [tilespmem:s30+$0x123A0];
	v58 =	vmul.f32 v1, v33;
	v4 =	vadd.f32 v9, v4  }
0x32f: {  	v57 =	vld [tilespmem:s30+$0x12350];
	v60 =	vmul.f32 v1, v28;
	v5 =	vadd.f32 v5, v53  }
0x330: {  	v59 =	vld [tilespmem:s30+$0x12340];
	v61 =	vmul.f32 v1, v31;
	v7 =	vadd.f32 v58, v54;
	[tilespmem:s30+$0x1A3B0] =	vst v4  }
0x331: {  	v62 =	vmul.f32 v1, v16;
	v8 =	vadd.f32 v60, v55;
	[tilespmem:s30+$0x1A390] =	vst v5  }
0x332: {  	v0 =	vmul.f32 v1, v0;
	v63 =	vadd.f32 v61, v56;
	[tilespmem:s30+$0x1A370] =	vst v7  }
0x333: {  	v1 =	vmul.f32 v1, v3;
	v2 =	vadd.f32 v62, v2;
	[tilespmem:s30+$0x1A380] =	vst v8  }
0x334: {  	v0 =	vadd.f32 v0, v57;
	[tilespmem:s30+$0x1A360] =	vst v63  }
0x335: {  	v1 =	vadd.f32 v1, v59;
	[tilespmem:s30+$0x1A3A0] =	vst v2  }
0x336: {  	[tilespmem:s30+$0x1A350] =	vst v0  }
0x337: {  	s28 =	sadd.s32 $0x1, s28;
	[tilespmem:s30+$0x1A340] =	vst v1;
	s30 =	simm.s32 $0x1A340  }
0x338: {  	[hbm4b:s12+s4] =	stream.linear.scatter [tilespmem:s30], [sflag:$0x7], $0x4000, $0x38;
	[tilespmem:$0x1E340] =	vst v63  }
0x339: {  	p0 =	sne.s32 s28, s13;
	_ =	swait.ge [sflag:s21], $0x4000  }
.Ltmp5:
0x33a: {  	[sflag:s21] =	ssyncset.done $0x0;
	(pc) =	sbr.rel @p0 .LBB2_1-.Ltmp5, $4  }
0x33b: {  	[sflag:s21] =	ssyncadd.s32 $0xFFFFC000  }
0x33c: {  	_ =	swait.ge [sflag:s24], $0x4000  }
0x33d: {  	[sflag:s24] =	ssyncset.done $0x0  }
0x33e: {  	s0 =	simm.s32 $0x200;
	[sflag:s24] =	ssyncadd.s32 $0xFFFFC000  }
0x33f: {  	_ =	sfence.sel $0x180000  }
0x340: {  	[bflag:$0x0] =	sbarrier.arrive $0xFFFF  }
0x341: {  	_ =	strace $0x90000047  }
0x342: {  	s0 =	stileid.u32;
	[bflag:$0x2] =	sbarrier.arrive $0xFFFF  }
0x343: {  	p0 =	sne.s32 s0, $0x0;
	s0 =	rddreg [dreg:$0x6]  }
0x344: {  	s0 =	sadd.s32 @!p0 $0x100000, s0  }
0x345: {  	[sflag:s0] =	ssyncadd.tile.s32 @!p0 $0x1;
	_ =	shalt  }
.Lfunc_end2:
_tile_overlayer_lowered:
.L_overlay_start_2:
0x346: {  	(tag) =	ssettag $0x2  }
0x347: {  	s0 =	rddreg [dreg:$0x0];
	s2 =	stileid.u32  }
0x348: {  	s1 =	rddreg [dreg:$0x1];
	p0 =	sne.s32 s2, $0x0  }
0x349: {  	s3 =	rddreg [dreg:$0x2];
	[bflag:$0x3] =	sbarrier.arrive $0xFFFF;
	s2 =	simm.s32 @!p0 $0x1C08  }
0x34a: {  	[timem:s3], [sflag:s2] =	dma.local @!p0 [hbm:s0], s1  }
0x34b: {  	s0 =	simm.s32 @!p0 $0x8  }
0x34c: {  	_ =	swait.ge @!p0 [sflag:s0], s1  }
0x34d: {  	s1 =	ssub.s32 @!p0 $0x0, s1;
	[sflag:s0] =	ssyncset.done @!p0 $0x0  }
0x34e: {  	[sflag:s0] =	ssyncadd.s32 @!p0 s1  }
0x34f: {  	[bflag:$0x3] =	sbarrier.arrive $0xFFFF  }
0x350: {  	_ =	shalt  }

</sc_bundles>
